<compile_context>
chip_gen: v7x
topology: tpu7x:2x2x1
jax: 0.10.2.dev20260603
libtpu: 0.0.44.dev20260713+nightly
codegen_flags: <defaults>
</compile_context>

<pallas_src>
import functools

import jax
import jax.numpy as jnp
from jax import lax
from jax.experimental import pallas as pl
from jax.experimental.pallas import tpu as pltpu
from jax.experimental.pallas import tpu_sc as plsc

N = 10000
E = 320000
D = 128
NP = 10240

NC = 2
NS = 16
NW = NC * NS

EPT = E // NW
CH = 80
NCHUNK = EPT // CH
RPT = NP // NS

_mesh = plsc.VectorSubcoreMesh(core_axis_name="c", subcore_axis_name="s")


def _fill_idx(zidx, base, iota16):

    @pl.loop(0, CH, step=16)
    def _(j):
        zidx[pl.ds(j, 16)] = base + j + iota16


def _sc_degrees(src, dst):

    @functools.partial(
        pl.kernel,
        out_type=[
            jax.ShapeDtypeStruct((NC, NP, 16), jnp.float32),
            jax.ShapeDtypeStruct((NC, NP, 16), jnp.float32),
        ],
        mesh=_mesh,
        scratch_types=[
            pltpu.VMEM((CH,), jnp.int32),
            pltpu.VMEM((CH,), jnp.int32),
            pltpu.VMEM((CH,), jnp.int32),
            pltpu.VMEM((CH, 16), jnp.float32),
            pltpu.VMEM((CH, 16), jnp.float32),
            pltpu.VMEM((CH, 16), jnp.float32),
            pltpu.VMEM_SHARED((NP, 16), jnp.float32),
            pltpu.VMEM_SHARED((NP, 16), jnp.float32),
        ],
    )
    def k(src_h, dst_h, dop_h, dip_h,
          sidx, didx, zidx, ones_v, zrows, grows, acc_o, acc_i):
        c = lax.axis_index("c")
        s = lax.axis_index("s")
        wid = c * NS + s
        ebase = wid * EPT
        r0 = s * RPT
        iota16 = lax.iota(jnp.int32, 16)

        zero16 = jnp.zeros((16,), jnp.float32)
        one16 = jnp.full((16,), 1.0, jnp.float32)

        @pl.loop(0, CH)
        def _(i):
            ones_v[i, :] = one16
            zrows[i, :] = zero16

        @pl.loop(0, RPT, step=CH)
        def _(k0):
            _fill_idx(zidx, r0 + k0, iota16)
            pltpu.sync_copy(zrows, acc_o.at[zidx])
            pltpu.sync_copy(zrows, acc_i.at[zidx])

        plsc.subcore_barrier()

        @pl.loop(0, NCHUNK)
        def _(ci):
            base = ebase + ci * CH
            pltpu.sync_copy(src_h.at[pl.ds(base, CH)], sidx)
            pltpu.sync_copy(dst_h.at[pl.ds(base, CH)], didx)
            pltpu.sync_copy(ones_v, acc_o.at[sidx], add=True)
            pltpu.sync_copy(ones_v, acc_i.at[didx], add=True)

        plsc.subcore_barrier()

        @pl.loop(0, RPT, step=CH)
        def _(k0):
            _fill_idx(zidx, r0 + k0, iota16)
            pltpu.sync_copy(acc_o.at[zidx], grows)
            pltpu.sync_copy(grows, dop_h.at[c, pl.ds(r0 + k0, CH), :])
            pltpu.sync_copy(acc_i.at[zidx], grows)
            pltpu.sync_copy(grows, dip_h.at[c, pl.ds(r0 + k0, CH), :])

    return k(src, dst)


def _sc_agg(h, src, dst):

    @functools.partial(
        pl.kernel,
        out_type=jax.ShapeDtypeStruct((NC, NP, D), jnp.float32),
        mesh=_mesh,
        scratch_types=[
            pltpu.VMEM((CH,), jnp.int32),
            pltpu.VMEM((CH,), jnp.int32),
            pltpu.VMEM((CH,), jnp.int32),
            pltpu.VMEM((CH, D), jnp.float32),
            pltpu.VMEM((CH, D), jnp.float32),
            pltpu.VMEM_SHARED((NP, D), jnp.float32),
            pltpu.SemaphoreType.DMA,
        ],
    )
    def k(h_h, src_h, dst_h, out_h, sidx, didx, zidx, rows, zrows, acc, sem):
        c = lax.axis_index("c")
        s = lax.axis_index("s")
        wid = c * NS + s
        ebase = wid * EPT
        r0 = s * RPT
        iota16 = lax.iota(jnp.int32, 16)

        zero16 = jnp.zeros((16,), jnp.float32)

        @pl.loop(0, CH)
        def _(i):
            @pl.loop(0, D, step=16)
            def _(j):
                zrows[i, pl.ds(j, 16)] = zero16

        @pl.loop(0, RPT, step=CH)
        def _(k0):
            _fill_idx(zidx, r0 + k0, iota16)
            pltpu.sync_copy(zrows, acc.at[zidx])

        plsc.subcore_barrier()

        @pl.loop(0, NCHUNK)
        def _(ci):
            base = ebase + ci * CH
            pltpu.sync_copy(src_h.at[pl.ds(base, CH)], sidx)
            pltpu.sync_copy(dst_h.at[pl.ds(base, CH)], didx)
            pltpu.async_copy(h_h.at[sidx], rows, sem).wait()
            pltpu.sync_copy(rows, acc.at[didx], add=True)

        plsc.subcore_barrier()

        @pl.loop(0, RPT, step=CH)
        def _(k0):
            _fill_idx(zidx, r0 + k0, iota16)
            pltpu.sync_copy(acc.at[zidx], rows)
            pltpu.sync_copy(rows, out_h.at[c, pl.ds(r0 + k0, CH), :])

    return k(h, src, dst)


BLK = 1024
GRID = NP // BLK


def _norm_from_partials(p_ref):
    d = p_ref[0] + p_ref[1]
    deg = d[:, 0]
    return lax.rsqrt(jnp.maximum(deg, 1.0))


def _tc1_body(dop_ref, x_ref, w_ref, h_ref):
    s_out = _norm_from_partials(dop_ref)
    h_ref[...] = jnp.dot(
        x_ref[...] * s_out[:, None], w_ref[...],
        preferred_element_type=jnp.float32,
    )


def _tc1(dop, x, w):
    return pl.pallas_call(
        _tc1_body,
        grid=(GRID,),
        in_specs=[
            pl.BlockSpec((NC, BLK, 16), lambda i: (0, i, 0)),
            pl.BlockSpec((BLK, D), lambda i: (i, 0)),
            pl.BlockSpec((D, D), lambda i: (0, 0)),
        ],
        out_specs=pl.BlockSpec((BLK, D), lambda i: (i, 0)),
        out_shape=jax.ShapeDtypeStruct((NP, D), jnp.float32),
    )(dop, x, w)


def _tc2_body(p_ref, dip_ref, dop_ref, b1_ref, w_ref, o_ref):
    s_in = _norm_from_partials(dip_ref)
    s_out = _norm_from_partials(dop_ref)
    agg = p_ref[0] + p_ref[1]
    h = jnp.maximum(agg * s_in[:, None] + b1_ref[...], 0.0)
    o_ref[...] = jnp.dot(
        h * s_out[:, None], w_ref[...], preferred_element_type=jnp.float32
    )


def _tc2(p, dip, dop, b1, w):
    return pl.pallas_call(
        _tc2_body,
        grid=(GRID,),
        in_specs=[
            pl.BlockSpec((NC, BLK, D), lambda i: (0, i, 0)),
            pl.BlockSpec((NC, BLK, 16), lambda i: (0, i, 0)),
            pl.BlockSpec((NC, BLK, 16), lambda i: (0, i, 0)),
            pl.BlockSpec((1, D), lambda i: (0, 0)),
            pl.BlockSpec((D, D), lambda i: (0, 0)),
        ],
        out_specs=pl.BlockSpec((BLK, D), lambda i: (i, 0)),
        out_shape=jax.ShapeDtypeStruct((NP, D), jnp.float32),
    )(p, dip, dop, b1, w)


def _tc3_body(q_ref, dip_ref, b2_ref, o_ref):
    s_in = _norm_from_partials(dip_ref)
    agg = q_ref[0] + q_ref[1]
    o_ref[...] = agg * s_in[:, None] + b2_ref[...]


def _tc3(q, dip, b2):
    return pl.pallas_call(
        _tc3_body,
        grid=(GRID,),
        in_specs=[
            pl.BlockSpec((NC, BLK, D), lambda i: (0, i, 0)),
            pl.BlockSpec((NC, BLK, 16), lambda i: (0, i, 0)),
            pl.BlockSpec((1, D), lambda i: (0, 0)),
        ],
        out_specs=pl.BlockSpec((BLK, D), lambda i: (i, 0)),
        out_shape=jax.ShapeDtypeStruct((N, D), jnp.float32),
    )(q, dip, b2)


def kernel(x, edge_index, W1, b1, W2, b2):
    src = edge_index[0]
    dst = edge_index[1]
    dop, dip = _sc_degrees(src, dst)
    h1 = _tc1(dop, x, W1)
    p1 = _sc_agg(h1, src, dst)
    t2 = _tc2(p1, dip, dop, b1.reshape(1, D), W2)
    p2 = _sc_agg(t2, src, dst)
    out = _tc3(p2, dip, b2.reshape(1, D))
    return out

# --- scband reference (transcript-rebuilt; emitter-appended) ---
"""Pipeline reference for scband-gcn-86646670229994 (READ-ONLY COPY).

The authoritative reference and input builder live on the scoring server;
editing this copy changes nothing except your own understanding.
"""

import jax, jax.numpy as jnp
import numpy as np

N = 10000
E = 320000
D_IN = 128
D_HID = 128
D_OUT = 128

def setup_inputs(seed: int = 0) -> dict:
    key = jax.random.key(seed)
    k1, k2, k3, k4, k5, k6 = jax.random.split(key, 6)
    x = jax.random.normal(k1, (N, D_IN), dtype=jnp.float32)
    edge_index = jax.random.randint(k2, (2, E), 0, N, dtype=jnp.int32)
    W1 = jax.random.normal(k3, (D_IN, D_HID), dtype=jnp.float32) * 0.05
    b1 = jnp.zeros((D_HID,), dtype=jnp.float32)
    W2 = jax.random.normal(k4, (D_HID, D_OUT), dtype=jnp.float32) * 0.05
    b2 = jnp.zeros((D_OUT,), dtype=jnp.float32)
    return {"x": x, "edge_index": edge_index, "W1": W1, "b1": b1, "W2": W2, "b2": b2}

def _graph_conv(h, W, b, src, dst, deg_out_inv_sqrt, deg_in_inv_sqrt, n_nodes):
    # DGL GraphConv with norm='both': D_in^{-1/2} A D_out^{-1/2} X W + b
    h = h * deg_out_inv_sqrt[:, None]
    h = h @ W
    msgs = h[src]                                  # gather (SparseCore)
    agg = jax.ops.segment_sum(msgs, dst, num_segments=n_nodes)  # scatter-add
    agg = agg * deg_in_inv_sqrt[:, None]
    return agg + b

def reference(x, edge_index, W1, b1, W2, b2):
    src = edge_index[0]
    dst = edge_index[1]
    ones = jnp.ones((E,), dtype=jnp.float32)
    deg_out = jnp.maximum(jax.ops.segment_sum(ones, src, num_segments=N), 1.0)
    deg_in = jnp.maximum(jax.ops.segment_sum(ones, dst, num_segments=N), 1.0)
    deg_out_inv_sqrt = jax.lax.rsqrt(deg_out)
    deg_in_inv_sqrt = jax.lax.rsqrt(deg_in)
    h = _graph_conv(x, W1, b1, src, dst, deg_out_inv_sqrt, deg_in_inv_sqrt, N)
    h = jax.nn.relu(h)  # conv1 activation; dropout p=0.0 is identity
    out = _graph_conv(h, W2, b2, src, dst, deg_out_inv_sqrt, deg_in_inv_sqrt, N)
    return out

if __name__ == "__main__":
    import jax
    _d = setup_inputs()
    print(jax.jit(kernel)(*tuple(_d.values())))

</pallas_src>

<mosaic_0001>
#map = affine_map<(d0, d1) -> (0, 0)>
#map1 = affine_map<(d0, d1) -> (0)>
#map2 = affine_map<(d0, d1) -> (0, 0, 0)>
module attributes {stable_mosaic.version = 14 : i64} {
  func.func @k(%arg0: i32, %arg1: i32, %arg2: memref<10240x128xf32, #tpu.memory_space<hbm>>, %arg3: memref<320000xi32, #tpu.memory_space<hbm>>, %arg4: memref<320000xi32, #tpu.memory_space<hbm>>, %arg5: memref<2x10240x128xf32, #tpu.memory_space<hbm>>, %arg6: memref<80xi32, #tpu.memory_space<vmem>>, %arg7: memref<80xi32, #tpu.memory_space<vmem>>, %arg8: memref<80xi32, #tpu.memory_space<vmem>>, %arg9: memref<80x128xf32, #tpu.memory_space<vmem>>, %arg10: memref<80x128xf32, #tpu.memory_space<vmem>>, %arg11: memref<10240x128xf32, #tpu.memory_space<vmem_shared>>, %arg12: memref<!tpu.dma_semaphore, #tpu.memory_space<semaphore_mem>>) attributes {dimension_semantics = [#tpu.dimension_semantics<core_parallel>, #tpu.dimension_semantics<subcore_parallel>], iteration_bounds = array<i64: 2, 16>, scalar_prefetch = 0 : i64, scratch_operands = 7 : i64, tpu.core_type = #tpu.core_type<sc_vector_subcore>, window_params = [{transform_indices = #map}, {transform_indices = #map1}, {transform_indices = #map1}, {transform_indices = #map2}]} {
    %mul3A = arith.constant 16 : i32
    %mul3A_0 = arith.muli %arg0, %mul3A : i32
    %add3A = arith.addi %mul3A_0, %arg1 : i32
    %mul3A_1 = arith.constant 10000 : i32
    %mul3A_2 = arith.muli %add3A, %mul3A_1 : i32
    %mul3A_3 = arith.constant 640 : i32
    %mul3A_4 = arith.muli %arg1, %mul3A_3 : i32
    %iota3A = tpu.iota {dimensions = array<i32: 0>} : vector<16xi32>
    %broadcast_in_dim3A = arith.constant 0.000000e+00 : f32
    %broadcast_in_dim3A_5 = vector.broadcast %broadcast_in_dim3A : f32 to vector<16xf32>
    %scan3A = arith.constant 0 : i32
    %scan3A_6 = arith.constant 80 : i32
    %scan3A_7 = arith.addi %scan3A, %scan3A_6 : i32
    %scan3A_8 = arith.constant 1 : i32
    scf.for %scan3A_26 = %scan3A to %scan3A_7 step %scan3A_8  : i32 {
      %mul3A_27 = arith.constant 1 : i32
      %mul3A_28 = arith.muli %scan3A_26, %mul3A_27 : i32
      %add3A_29 = arith.constant 0 : i32
      %add3A_30 = arith.addi %add3A_29, %mul3A_28 : i32
      %scan3A_31 = arith.constant 0 : i32
      %scan3A_32 = arith.constant 8 : i32
      %scan3A_33 = arith.addi %scan3A_31, %scan3A_32 : i32
      %scan3A_34 = arith.constant 1 : i32
      scf.for %scan3A_36 = %scan3A_31 to %scan3A_33 step %scan3A_34  : i32 {
        %mul3A_37 = arith.constant 16 : i32
        %mul3A_38 = arith.muli %scan3A_36, %mul3A_37 : i32
        %add3A_39 = arith.constant 0 : i32
        %add3A_40 = arith.addi %add3A_39, %mul3A_38 : i32
        %swap3A = arith.index_cast %add3A_30 : i32 to index
        %swap3A_41 = arith.index_cast %add3A_40 : i32 to index
        %swap3A_42 = tpu.vector_load %arg10[%swap3A, %swap3A_41] {strides = array<i32>} : memref<80x128xf32, #tpu.memory_space<vmem>>, vector<1x16xf32>,
        %swap3A_43 = vector.shape_cast %swap3A_42 : vector<1x16xf32> to vector<16xf32>
        %swap3A_44 = vector.shape_cast %broadcast_in_dim3A_5 : vector<16xf32> to vector<1x16xf32>
        tpu.vector_store %arg10[%swap3A, %swap3A_41], %swap3A_44 {strides = array<i32>} : memref<80x128xf32, #tpu.memory_space<vmem>>, vector<1x16xf32>,
      }
      %scan3A_35 = arith.constant 8 : i32
    }
    %scan3A_9 = arith.constant 80 : i32
    %scan3A_10 = arith.constant 0 : i32
    %scan3A_11 = arith.constant 8 : i32
    %scan3A_12 = arith.addi %scan3A_10, %scan3A_11 : i32
    %scan3A_13 = arith.constant 1 : i32
    scf.for %scan3A_26 = %scan3A_10 to %scan3A_12 step %scan3A_13  : i32 {
      %mul3A_27 = arith.constant 80 : i32
      %mul3A_28 = arith.muli %scan3A_26, %mul3A_27 : i32
      %add3A_29 = arith.constant 0 : i32
      %add3A_30 = arith.addi %add3A_29, %mul3A_28 : i32
      %add3A_31 = arith.addi %mul3A_4, %add3A_30 : i32
      %scan3A_32 = arith.constant 0 : i32
      %scan3A_33 = arith.constant 5 : i32
      %scan3A_34 = arith.addi %scan3A_32, %scan3A_33 : i32
      %scan3A_35 = arith.constant 1 : i32
      scf.for %scan3A_37 = %scan3A_32 to %scan3A_34 step %scan3A_35  : i32 {
        %mul3A_38 = arith.constant 16 : i32
        %mul3A_39 = arith.muli %scan3A_37, %mul3A_38 : i32
        %add3A_40 = arith.constant 0 : i32
        %add3A_41 = arith.addi %add3A_40, %mul3A_39 : i32
        %add3A_42 = arith.addi %add3A_31, %add3A_41 : i32
        %add3A_43 = vector.broadcast %add3A_42 : i32 to vector<16xi32>
        %add3A_44 = arith.addi %add3A_43, %iota3A : vector<16xi32>
        %swap3A = arith.index_cast %add3A_41 : i32 to index
        %swap3A_45 = tpu.vector_load %arg8[%swap3A] {strides = array<i32>} : memref<80xi32, #tpu.memory_space<vmem>>, vector<16xi32>,
        %swap3A_46 = vector.shape_cast %swap3A_45 : vector<16xi32> to vector<16xi32>
        %swap3A_47 = vector.shape_cast %add3A_44 : vector<16xi32> to vector<16xi32>
        tpu.vector_store %arg8[%swap3A], %swap3A_47 {strides = array<i32>} : memref<80xi32, #tpu.memory_space<vmem>>, vector<16xi32>,
      }
      %scan3A_36 = arith.constant 5 : i32
      "tpu.region"() ({
        %run_scoped3A = tpu.sem_alloc : memref<!tpu.dma_semaphore, #tpu.memory_space<semaphore_mem>>
        %dma_start3A = arith.constant 0 : i32
        %dma_start3A_37 = arith.constant 0 : i32
        %dma_start3A_38 = tpu.memref_slice %arg11[%dma_start3A, %dma_start3A_37] : memref<10240x128xf32, #tpu.memory_space<vmem_shared>> -> memref<10240x128xf32, #tpu.memory_space<vmem_shared>>
        tpu.enqueue_indirect_dma source(%arg10 : memref<80x128xf32, #tpu.memory_space<vmem>>) target(%dma_start3A_38 : memref<10240x128xf32, #tpu.memory_space<vmem_shared>>) offsets(%arg8 : memref<80xi32, #tpu.memory_space<vmem>>) semaphore(%run_scoped3A : memref<!tpu.dma_semaphore, #tpu.memory_space<semaphore_mem>>)
        %dma_wait3A = arith.constant 0 : i32
        %dma_wait3A_39 = arith.constant 0 : i32
        %dma_wait3A_40 = tpu.memref_slice %arg11[%dma_wait3A, %dma_wait3A_39] : memref<10240x128xf32, #tpu.memory_space<vmem_shared>> -> memref<10240x128xf32, #tpu.memory_space<vmem_shared>>
        tpu.wait_indirect_dma semaphore(%run_scoped3A : memref<!tpu.dma_semaphore, #tpu.memory_space<semaphore_mem>>) src(%arg10 : memref<80x128xf32, #tpu.memory_space<vmem>>) dst(%dma_wait3A_40 : memref<10240x128xf32, #tpu.memory_space<vmem_shared>>)
        tpu.yield
      }) : () -> ()
    }
    %scan3A_14 = arith.constant 8 : i32
    %barrier3A = arith.constant 0 : index
    tpu.barrier barrier_id(%barrier3A)
    %scan3A_15 = arith.constant 0 : i32
    %scan3A_16 = arith.constant 125 : i32
    %scan3A_17 = arith.addi %scan3A_15, %scan3A_16 : i32
    %scan3A_18 = arith.constant 1 : i32
    scf.for %scan3A_26 = %scan3A_15 to %scan3A_17 step %scan3A_18  : i32 {
      %mul3A_27 = arith.constant 1 : i32
      %mul3A_28 = arith.muli %scan3A_26, %mul3A_27 : i32
      %add3A_29 = arith.constant 0 : i32
      %add3A_30 = arith.addi %add3A_29, %mul3A_28 : i32
      %mul3A_31 = arith.constant 80 : i32
      %mul3A_32 = arith.muli %add3A_30, %mul3A_31 : i32
      %add3A_33 = arith.addi %mul3A_2, %mul3A_32 : i32
      "tpu.region"() ({
        %run_scoped3A = tpu.sem_alloc : memref<!tpu.dma_semaphore, #tpu.memory_space<semaphore_mem>>
        %dma_start3A_38 = tpu.memref_slice %arg3[%add3A_33] : memref<320000xi32, #tpu.memory_space<hbm>> -> memref<80xi32, #tpu.memory_space<hbm>>
        %dma_start3A_39 = tpu.memref_slice %arg3[%add3A_33] : memref<320000xi32, #tpu.memory_space<hbm>> -> memref<80xi32, #tpu.memory_space<hbm>>
        tpu.enqueue_dma source(%dma_start3A_39 : memref<80xi32, #tpu.memory_space<hbm>>) target(%arg6 : memref<80xi32, #tpu.memory_space<vmem>>) target_semaphore(%run_scoped3A : memref<!tpu.dma_semaphore, #tpu.memory_space<semaphore_mem>>)
        %dma_wait3A_40 = tpu.memref_slice %arg3[%add3A_33] : memref<320000xi32, #tpu.memory_space<hbm>> -> memref<80xi32, #tpu.memory_space<hbm>>
        %dma_wait3A_41 = tpu.memref_slice %arg3[%add3A_33] : memref<320000xi32, #tpu.memory_space<hbm>> -> memref<80xi32, #tpu.memory_space<hbm>>
        tpu.wait_dma2 semaphore(%run_scoped3A : memref<!tpu.dma_semaphore, #tpu.memory_space<semaphore_mem>>) src(%dma_wait3A_41 : memref<80xi32, #tpu.memory_space<hbm>>) dst(%arg6 : memref<80xi32, #tpu.memory_space<vmem>>)
        tpu.yield
      }) : () -> ()
      "tpu.region"() ({
        %run_scoped3A = tpu.sem_alloc : memref<!tpu.dma_semaphore, #tpu.memory_space<semaphore_mem>>
        %dma_start3A_38 = tpu.memref_slice %arg4[%add3A_33] : memref<320000xi32, #tpu.memory_space<hbm>> -> memref<80xi32, #tpu.memory_space<hbm>>
        %dma_start3A_39 = tpu.memref_slice %arg4[%add3A_33] : memref<320000xi32, #tpu.memory_space<hbm>> -> memref<80xi32, #tpu.memory_space<hbm>>
        tpu.enqueue_dma source(%dma_start3A_39 : memref<80xi32, #tpu.memory_space<hbm>>) target(%arg7 : memref<80xi32, #tpu.memory_space<vmem>>) target_semaphore(%run_scoped3A : memref<!tpu.dma_semaphore, #tpu.memory_space<semaphore_mem>>)
        %dma_wait3A_40 = tpu.memref_slice %arg4[%add3A_33] : memref<320000xi32, #tpu.memory_space<hbm>> -> memref<80xi32, #tpu.memory_space<hbm>>
        %dma_wait3A_41 = tpu.memref_slice %arg4[%add3A_33] : memref<320000xi32, #tpu.memory_space<hbm>> -> memref<80xi32, #tpu.memory_space<hbm>>
        tpu.wait_dma2 semaphore(%run_scoped3A : memref<!tpu.dma_semaphore, #tpu.memory_space<semaphore_mem>>) src(%dma_wait3A_41 : memref<80xi32, #tpu.memory_space<hbm>>) dst(%arg7 : memref<80xi32, #tpu.memory_space<vmem>>)
        tpu.yield
      }) : () -> ()
      %dma_start3A = arith.constant 0 : i32
      %dma_start3A_34 = arith.constant 0 : i32
      %dma_start3A_35 = tpu.memref_slice %arg2[%dma_start3A, %dma_start3A_34] : memref<10240x128xf32, #tpu.memory_space<hbm>> -> memref<10240x128xf32, #tpu.memory_space<hbm>>
      tpu.enqueue_indirect_dma source(%dma_start3A_35 : memref<10240x128xf32, #tpu.memory_space<hbm>>) target(%arg9 : memref<80x128xf32, #tpu.memory_space<vmem>>) offsets(%arg6 : memref<80xi32, #tpu.memory_space<vmem>>) semaphore(%arg12 : memref<!tpu.dma_semaphore, #tpu.memory_space<semaphore_mem>>)
      %dma_wait3A = arith.constant 0 : i32
      %dma_wait3A_36 = arith.constant 0 : i32
      %dma_wait3A_37 = tpu.memref_slice %arg2[%dma_wait3A, %dma_wait3A_36] : memref<10240x128xf32, #tpu.memory_space<hbm>> -> memref<10240x128xf32, #tpu.memory_space<hbm>>
      tpu.wait_indirect_dma semaphore(%arg12 : memref<!tpu.dma_semaphore, #tpu.memory_space<semaphore_mem>>) src(%dma_wait3A_37 : memref<10240x128xf32, #tpu.memory_space<hbm>>) dst(%arg9 : memref<80x128xf32, #tpu.memory_space<vmem>>)
      "tpu.region"() ({
        %run_scoped3A = tpu.sem_alloc : memref<!tpu.dma_semaphore, #tpu.memory_space<semaphore_mem>>
        %dma_start3A_38 = arith.constant 0 : i32
        %dma_start3A_39 = arith.constant 0 : i32
        %dma_start3A_40 = tpu.memref_slice %arg11[%dma_start3A_38, %dma_start3A_39] : memref<10240x128xf32, #tpu.memory_space<vmem_shared>> -> memref<10240x128xf32, #tpu.memory_space<vmem_shared>>
        tpu.enqueue_indirect_dma source(%arg9 : memref<80x128xf32, #tpu.memory_space<vmem>>) target(%dma_start3A_40 : memref<10240x128xf32, #tpu.memory_space<vmem_shared>>) offsets(%arg7 : memref<80xi32, #tpu.memory_space<vmem>>) semaphore(%run_scoped3A : memref<!tpu.dma_semaphore, #tpu.memory_space<semaphore_mem>>) {add = true}
        %dma_wait3A_41 = arith.constant 0 : i32
        %dma_wait3A_42 = arith.constant 0 : i32
        %dma_wait3A_43 = tpu.memref_slice %arg11[%dma_wait3A_41, %dma_wait3A_42] : memref<10240x128xf32, #tpu.memory_space<vmem_shared>> -> memref<10240x128xf32, #tpu.memory_space<vmem_shared>>
        tpu.wait_indirect_dma semaphore(%run_scoped3A : memref<!tpu.dma_semaphore, #tpu.memory_space<semaphore_mem>>) src(%arg9 : memref<80x128xf32, #tpu.memory_space<vmem>>) dst(%dma_wait3A_43 : memref<10240x128xf32, #tpu.memory_space<vmem_shared>>)
        tpu.yield
      }) : () -> ()
    }
    %scan3A_19 = arith.constant 125 : i32
    %barrier3A_20 = arith.constant 0 : index
    tpu.barrier barrier_id(%barrier3A_20)
    %scan3A_21 = arith.constant 0 : i32
    %scan3A_22 = arith.constant 8 : i32
    %scan3A_23 = arith.addi %scan3A_21, %scan3A_22 : i32
    %scan3A_24 = arith.constant 1 : i32
    scf.for %scan3A_26 = %scan3A_21 to %scan3A_23 step %scan3A_24  : i32 {
      %mul3A_27 = arith.constant 80 : i32
      %mul3A_28 = arith.muli %scan3A_26, %mul3A_27 : i32
      %add3A_29 = arith.constant 0 : i32
      %add3A_30 = arith.addi %add3A_29, %mul3A_28 : i32
      %add3A_31 = arith.addi %mul3A_4, %add3A_30 : i32
      %scan3A_32 = arith.constant 0 : i32
      %scan3A_33 = arith.constant 5 : i32
      %scan3A_34 = arith.addi %scan3A_32, %scan3A_33 : i32
      %scan3A_35 = arith.constant 1 : i32
      scf.for %scan3A_38 = %scan3A_32 to %scan3A_34 step %scan3A_35  : i32 {
        %mul3A_39 = arith.constant 16 : i32
        %mul3A_40 = arith.muli %scan3A_38, %mul3A_39 : i32
        %add3A_41 = arith.constant 0 : i32
        %add3A_42 = arith.addi %add3A_41, %mul3A_40 : i32
        %add3A_43 = arith.addi %add3A_31, %add3A_42 : i32
        %add3A_44 = vector.broadcast %add3A_43 : i32 to vector<16xi32>
        %add3A_45 = arith.addi %add3A_44, %iota3A : vector<16xi32>
        %swap3A = arith.index_cast %add3A_42 : i32 to index
        %swap3A_46 = tpu.vector_load %arg8[%swap3A] {strides = array<i32>} : memref<80xi32, #tpu.memory_space<vmem>>, vector<16xi32>,
        %swap3A_47 = vector.shape_cast %swap3A_46 : vector<16xi32> to vector<16xi32>
        %swap3A_48 = vector.shape_cast %add3A_45 : vector<16xi32> to vector<16xi32>
        tpu.vector_store %arg8[%swap3A], %swap3A_48 {strides = array<i32>} : memref<80xi32, #tpu.memory_space<vmem>>, vector<16xi32>,
      }
      %scan3A_36 = arith.constant 5 : i32
      "tpu.region"() ({
        %run_scoped3A = tpu.sem_alloc : memref<!tpu.dma_semaphore, #tpu.memory_space<semaphore_mem>>
        %dma_start3A = arith.constant 0 : i32
        %dma_start3A_38 = arith.constant 0 : i32
        %dma_start3A_39 = tpu.memref_slice %arg11[%dma_start3A, %dma_start3A_38] : memref<10240x128xf32, #tpu.memory_space<vmem_shared>> -> memref<10240x128xf32, #tpu.memory_space<vmem_shared>>
        tpu.enqueue_indirect_dma source(%dma_start3A_39 : memref<10240x128xf32, #tpu.memory_space<vmem_shared>>) target(%arg9 : memref<80x128xf32, #tpu.memory_space<vmem>>) offsets(%arg8 : memref<80xi32, #tpu.memory_space<vmem>>) semaphore(%run_scoped3A : memref<!tpu.dma_semaphore, #tpu.memory_space<semaphore_mem>>)
        %dma_wait3A = arith.constant 0 : i32
        %dma_wait3A_40 = arith.constant 0 : i32
        %dma_wait3A_41 = tpu.memref_slice %arg11[%dma_wait3A, %dma_wait3A_40] : memref<10240x128xf32, #tpu.memory_space<vmem_shared>> -> memref<10240x128xf32, #tpu.memory_space<vmem_shared>>
        tpu.wait_indirect_dma semaphore(%run_scoped3A : memref<!tpu.dma_semaphore, #tpu.memory_space<semaphore_mem>>) src(%dma_wait3A_41 : memref<10240x128xf32, #tpu.memory_space<vmem_shared>>) dst(%arg9 : memref<80x128xf32, #tpu.memory_space<vmem>>)
        tpu.yield
      }) : () -> ()
      %add3A_37 = arith.addi %mul3A_4, %add3A_30 : i32
      "tpu.region"() ({
        %run_scoped3A = tpu.sem_alloc : memref<!tpu.dma_semaphore, #tpu.memory_space<semaphore_mem>>
        %dma_start3A = arith.constant 0 : i32
        %dma_start3A_38 = tpu.memref_slice %arg5[%arg0, %add3A_37, %dma_start3A] : memref<2x10240x128xf32, #tpu.memory_space<hbm>> -> memref<1x80x128xf32, #tpu.memory_space<hbm>>
        %dma_start3A_39 = tpu.memref_squeeze %dma_start3A_38 : memref<1x80x128xf32, #tpu.memory_space<hbm>> -> memref<80x128xf32, #tpu.memory_space<hbm>>
        %dma_start3A_40 = arith.constant 0 : i32
        %dma_start3A_41 = tpu.memref_slice %arg5[%arg0, %add3A_37, %dma_start3A_40] : memref<2x10240x128xf32, #tpu.memory_space<hbm>> -> memref<1x80x128xf32, #tpu.memory_space<hbm>>
        %dma_start3A_42 = tpu.memref_squeeze %dma_start3A_41 : memref<1x80x128xf32, #tpu.memory_space<hbm>> -> memref<80x128xf32, #tpu.memory_space<hbm>>
        tpu.enqueue_dma source(%arg9 : memref<80x128xf32, #tpu.memory_space<vmem>>) target(%dma_start3A_42 : memref<80x128xf32, #tpu.memory_space<hbm>>) target_semaphore(%run_scoped3A : memref<!tpu.dma_semaphore, #tpu.memory_space<semaphore_mem>>)
        %dma_wait3A = arith.constant 0 : i32
        %dma_wait3A_43 = tpu.memref_slice %arg5[%arg0, %add3A_37, %dma_wait3A] : memref<2x10240x128xf32, #tpu.memory_space<hbm>> -> memref<1x80x128xf32, #tpu.memory_space<hbm>>
        %dma_wait3A_44 = tpu.memref_squeeze %dma_wait3A_43 : memref<1x80x128xf32, #tpu.memory_space<hbm>> -> memref<80x128xf32, #tpu.memory_space<hbm>>
        %dma_wait3A_45 = arith.constant 0 : i32
        %dma_wait3A_46 = tpu.memref_slice %arg5[%arg0, %add3A_37, %dma_wait3A_45] : memref<2x10240x128xf32, #tpu.memory_space<hbm>> -> memref<1x80x128xf32, #tpu.memory_space<hbm>>
        %dma_wait3A_47 = tpu.memref_squeeze %dma_wait3A_46 : memref<1x80x128xf32, #tpu.memory_space<hbm>> -> memref<80x128xf32, #tpu.memory_space<hbm>>
        tpu.wait_dma2 semaphore(%run_scoped3A : memref<!tpu.dma_semaphore, #tpu.memory_space<semaphore_mem>>) src(%arg9 : memref<80x128xf32, #tpu.memory_space<vmem>>) dst(%dma_wait3A_47 : memref<80x128xf32, #tpu.memory_space<hbm>>)
        tpu.yield
      }) : () -> ()
    }
    %scan3A_25 = arith.constant 8 : i32
    return
  }
}

#map = affine_map<(d0, d1) -> (0)>
#map1 = affine_map<(d0, d1) -> (0, 0, 0)>
module attributes {stable_mosaic.version = 14 : i64} {
  func.func @k(%arg0: i32, %arg1: i32, %arg2: memref<320000xi32, #tpu.memory_space<hbm>>, %arg3: memref<320000xi32, #tpu.memory_space<hbm>>, %arg4: memref<2x10240x16xf32, #tpu.memory_space<hbm>>, %arg5: memref<2x10240x16xf32, #tpu.memory_space<hbm>>, %arg6: memref<80xi32, #tpu.memory_space<vmem>>, %arg7: memref<80xi32, #tpu.memory_space<vmem>>, %arg8: memref<80xi32, #tpu.memory_space<vmem>>, %arg9: memref<80x16xf32, #tpu.memory_space<vmem>>, %arg10: memref<80x16xf32, #tpu.memory_space<vmem>>, %arg11: memref<80x16xf32, #tpu.memory_space<vmem>>, %arg12: memref<10240x16xf32, #tpu.memory_space<vmem_shared>>, %arg13: memref<10240x16xf32, #tpu.memory_space<vmem_shared>>) attributes {dimension_semantics = [#tpu.dimension_semantics<core_parallel>, #tpu.dimension_semantics<subcore_parallel>], iteration_bounds = array<i64: 2, 16>, scalar_prefetch = 0 : i64, scratch_operands = 8 : i64, tpu.core_type = #tpu.core_type<sc_vector_subcore>, window_params = [{transform_indices = #map}, {transform_indices = #map}, {transform_indices = #map1}, {transform_indices = #map1}]} {
    %mul3A = arith.constant 16 : i32
    %mul3A_0 = arith.muli %arg0, %mul3A : i32
    %add3A = arith.addi %mul3A_0, %arg1 : i32
    %mul3A_1 = arith.constant 10000 : i32
    %mul3A_2 = arith.muli %add3A, %mul3A_1 : i32
    %mul3A_3 = arith.constant 640 : i32
    %mul3A_4 = arith.muli %arg1, %mul3A_3 : i32
    %iota3A = tpu.iota {dimensions = array<i32: 0>} : vector<16xi32>
    %broadcast_in_dim3A = arith.constant 0.000000e+00 : f32
    %broadcast_in_dim3A_5 = vector.broadcast %broadcast_in_dim3A : f32 to vector<16xf32>
    %broadcast_in_dim3A_6 = arith.constant 1.000000e+00 : f32
    %broadcast_in_dim3A_7 = vector.broadcast %broadcast_in_dim3A_6 : f32 to vector<16xf32>
    %scan3A = arith.constant 0 : i32
    %scan3A_8 = arith.constant 80 : i32
    %scan3A_9 = arith.addi %scan3A, %scan3A_8 : i32
    %scan3A_10 = arith.constant 1 : i32
    scf.for %scan3A_28 = %scan3A to %scan3A_9 step %scan3A_10  : i32 {
      %mul3A_29 = arith.constant 1 : i32
      %mul3A_30 = arith.muli %scan3A_28, %mul3A_29 : i32
      %add3A_31 = arith.constant 0 : i32
      %add3A_32 = arith.addi %add3A_31, %mul3A_30 : i32
      %swap3A = arith.index_cast %add3A_32 : i32 to index
      %swap3A_33 = arith.constant 0 : index
      %swap3A_34 = tpu.vector_load %arg9[%swap3A, %swap3A_33] {strides = array<i32>} : memref<80x16xf32, #tpu.memory_space<vmem>>, vector<1x16xf32>,
      %swap3A_35 = vector.shape_cast %swap3A_34 : vector<1x16xf32> to vector<16xf32>
      %swap3A_36 = vector.shape_cast %broadcast_in_dim3A_7 : vector<16xf32> to vector<1x16xf32>
      tpu.vector_store %arg9[%swap3A, %swap3A_33], %swap3A_36 {strides = array<i32>} : memref<80x16xf32, #tpu.memory_space<vmem>>, vector<1x16xf32>,
      %swap3A_37 = arith.index_cast %add3A_32 : i32 to index
      %swap3A_38 = arith.constant 0 : index
      %swap3A_39 = tpu.vector_load %arg10[%swap3A_37, %swap3A_38] {strides = array<i32>} : memref<80x16xf32, #tpu.memory_space<vmem>>, vector<1x16xf32>,
      %swap3A_40 = vector.shape_cast %swap3A_39 : vector<1x16xf32> to vector<16xf32>
      %swap3A_41 = vector.shape_cast %broadcast_in_dim3A_5 : vector<16xf32> to vector<1x16xf32>
      tpu.vector_store %arg10[%swap3A_37, %swap3A_38], %swap3A_41 {strides = array<i32>} : memref<80x16xf32, #tpu.memory_space<vmem>>, vector<1x16xf32>,
    }
    %scan3A_11 = arith.constant 80 : i32
    %scan3A_12 = arith.constant 0 : i32
    %scan3A_13 = arith.constant 8 : i32
    %scan3A_14 = arith.addi %scan3A_12, %scan3A_13 : i32
    %scan3A_15 = arith.constant 1 : i32
    scf.for %scan3A_28 = %scan3A_12 to %scan3A_14 step %scan3A_15  : i32 {
      %mul3A_29 = arith.constant 80 : i32
      %mul3A_30 = arith.muli %scan3A_28, %mul3A_29 : i32
      %add3A_31 = arith.constant 0 : i32
      %add3A_32 = arith.addi %add3A_31, %mul3A_30 : i32
      %add3A_33 = arith.addi %mul3A_4, %add3A_32 : i32
      %scan3A_34 = arith.constant 0 : i32
      %scan3A_35 = arith.constant 5 : i32
      %scan3A_36 = arith.addi %scan3A_34, %scan3A_35 : i32
      %scan3A_37 = arith.constant 1 : i32
      scf.for %scan3A_39 = %scan3A_34 to %scan3A_36 step %scan3A_37  : i32 {
        %mul3A_40 = arith.constant 16 : i32
        %mul3A_41 = arith.muli %scan3A_39, %mul3A_40 : i32
        %add3A_42 = arith.constant 0 : i32
        %add3A_43 = arith.addi %add3A_42, %mul3A_41 : i32
        %add3A_44 = arith.addi %add3A_33, %add3A_43 : i32
        %add3A_45 = vector.broadcast %add3A_44 : i32 to vector<16xi32>
        %add3A_46 = arith.addi %add3A_45, %iota3A : vector<16xi32>
        %swap3A = arith.index_cast %add3A_43 : i32 to index
        %swap3A_47 = tpu.vector_load %arg8[%swap3A] {strides = array<i32>} : memref<80xi32, #tpu.memory_space<vmem>>, vector<16xi32>,
        %swap3A_48 = vector.shape_cast %swap3A_47 : vector<16xi32> to vector<16xi32>
        %swap3A_49 = vector.shape_cast %add3A_46 : vector<16xi32> to vector<16xi32>
        tpu.vector_store %arg8[%swap3A], %swap3A_49 {strides = array<i32>} : memref<80xi32, #tpu.memory_space<vmem>>, vector<16xi32>,
      }
      %scan3A_38 = arith.constant 5 : i32
      "tpu.region"() ({
        %run_scoped3A = tpu.sem_alloc : memref<!tpu.dma_semaphore, #tpu.memory_space<semaphore_mem>>
        %dma_start3A = arith.constant 0 : i32
        %dma_start3A_39 = arith.constant 0 : i32
        %dma_start3A_40 = tpu.memref_slice %arg12[%dma_start3A, %dma_start3A_39] : memref<10240x16xf32, #tpu.memory_space<vmem_shared>> -> memref<10240x16xf32, #tpu.memory_space<vmem_shared>>
        tpu.enqueue_indirect_dma source(%arg10 : memref<80x16xf32, #tpu.memory_space<vmem>>) target(%dma_start3A_40 : memref<10240x16xf32, #tpu.memory_space<vmem_shared>>) offsets(%arg8 : memref<80xi32, #tpu.memory_space<vmem>>) semaphore(%run_scoped3A : memref<!tpu.dma_semaphore, #tpu.memory_space<semaphore_mem>>)
        %dma_wait3A = arith.constant 0 : i32
        %dma_wait3A_41 = arith.constant 0 : i32
        %dma_wait3A_42 = tpu.memref_slice %arg12[%dma_wait3A, %dma_wait3A_41] : memref<10240x16xf32, #tpu.memory_space<vmem_shared>> -> memref<10240x16xf32, #tpu.memory_space<vmem_shared>>
        tpu.wait_indirect_dma semaphore(%run_scoped3A : memref<!tpu.dma_semaphore, #tpu.memory_space<semaphore_mem>>) src(%arg10 : memref<80x16xf32, #tpu.memory_space<vmem>>) dst(%dma_wait3A_42 : memref<10240x16xf32, #tpu.memory_space<vmem_shared>>)
        tpu.yield
      }) : () -> ()
      "tpu.region"() ({
        %run_scoped3A = tpu.sem_alloc : memref<!tpu.dma_semaphore, #tpu.memory_space<semaphore_mem>>
        %dma_start3A = arith.constant 0 : i32
        %dma_start3A_39 = arith.constant 0 : i32
        %dma_start3A_40 = tpu.memref_slice %arg13[%dma_start3A, %dma_start3A_39] : memref<10240x16xf32, #tpu.memory_space<vmem_shared>> -> memref<10240x16xf32, #tpu.memory_space<vmem_shared>>
        tpu.enqueue_indirect_dma source(%arg10 : memref<80x16xf32, #tpu.memory_space<vmem>>) target(%dma_start3A_40 : memref<10240x16xf32, #tpu.memory_space<vmem_shared>>) offsets(%arg8 : memref<80xi32, #tpu.memory_space<vmem>>) semaphore(%run_scoped3A : memref<!tpu.dma_semaphore, #tpu.memory_space<semaphore_mem>>)
        %dma_wait3A = arith.constant 0 : i32
        %dma_wait3A_41 = arith.constant 0 : i32
        %dma_wait3A_42 = tpu.memref_slice %arg13[%dma_wait3A, %dma_wait3A_41] : memref<10240x16xf32, #tpu.memory_space<vmem_shared>> -> memref<10240x16xf32, #tpu.memory_space<vmem_shared>>
        tpu.wait_indirect_dma semaphore(%run_scoped3A : memref<!tpu.dma_semaphore, #tpu.memory_space<semaphore_mem>>) src(%arg10 : memref<80x16xf32, #tpu.memory_space<vmem>>) dst(%dma_wait3A_42 : memref<10240x16xf32, #tpu.memory_space<vmem_shared>>)
        tpu.yield
      }) : () -> ()
    }
    %scan3A_16 = arith.constant 8 : i32
    %barrier3A = arith.constant 0 : index
    tpu.barrier barrier_id(%barrier3A)
    %scan3A_17 = arith.constant 0 : i32
    %scan3A_18 = arith.constant 125 : i32
    %scan3A_19 = arith.addi %scan3A_17, %scan3A_18 : i32
    %scan3A_20 = arith.constant 1 : i32
    scf.for %scan3A_28 = %scan3A_17 to %scan3A_19 step %scan3A_20  : i32 {
      %mul3A_29 = arith.constant 1 : i32
      %mul3A_30 = arith.muli %scan3A_28, %mul3A_29 : i32
      %add3A_31 = arith.constant 0 : i32
      %add3A_32 = arith.addi %add3A_31, %mul3A_30 : i32
      %mul3A_33 = arith.constant 80 : i32
      %mul3A_34 = arith.muli %add3A_32, %mul3A_33 : i32
      %add3A_35 = arith.addi %mul3A_2, %mul3A_34 : i32
      "tpu.region"() ({
        %run_scoped3A = tpu.sem_alloc : memref<!tpu.dma_semaphore, #tpu.memory_space<semaphore_mem>>
        %dma_start3A = tpu.memref_slice %arg2[%add3A_35] : memref<320000xi32, #tpu.memory_space<hbm>> -> memref<80xi32, #tpu.memory_space<hbm>>
        %dma_start3A_36 = tpu.memref_slice %arg2[%add3A_35] : memref<320000xi32, #tpu.memory_space<hbm>> -> memref<80xi32, #tpu.memory_space<hbm>>
        tpu.enqueue_dma source(%dma_start3A_36 : memref<80xi32, #tpu.memory_space<hbm>>) target(%arg6 : memref<80xi32, #tpu.memory_space<vmem>>) target_semaphore(%run_scoped3A : memref<!tpu.dma_semaphore, #tpu.memory_space<semaphore_mem>>)
        %dma_wait3A = tpu.memref_slice %arg2[%add3A_35] : memref<320000xi32, #tpu.memory_space<hbm>> -> memref<80xi32, #tpu.memory_space<hbm>>
        %dma_wait3A_37 = tpu.memref_slice %arg2[%add3A_35] : memref<320000xi32, #tpu.memory_space<hbm>> -> memref<80xi32, #tpu.memory_space<hbm>>
        tpu.wait_dma2 semaphore(%run_scoped3A : memref<!tpu.dma_semaphore, #tpu.memory_space<semaphore_mem>>) src(%dma_wait3A_37 : memref<80xi32, #tpu.memory_space<hbm>>) dst(%arg6 : memref<80xi32, #tpu.memory_space<vmem>>)
        tpu.yield
      }) : () -> ()
      "tpu.region"() ({
        %run_scoped3A = tpu.sem_alloc : memref<!tpu.dma_semaphore, #tpu.memory_space<semaphore_mem>>
        %dma_start3A = tpu.memref_slice %arg3[%add3A_35] : memref<320000xi32, #tpu.memory_space<hbm>> -> memref<80xi32, #tpu.memory_space<hbm>>
        %dma_start3A_36 = tpu.memref_slice %arg3[%add3A_35] : memref<320000xi32, #tpu.memory_space<hbm>> -> memref<80xi32, #tpu.memory_space<hbm>>
        tpu.enqueue_dma source(%dma_start3A_36 : memref<80xi32, #tpu.memory_space<hbm>>) target(%arg7 : memref<80xi32, #tpu.memory_space<vmem>>) target_semaphore(%run_scoped3A : memref<!tpu.dma_semaphore, #tpu.memory_space<semaphore_mem>>)
        %dma_wait3A = tpu.memref_slice %arg3[%add3A_35] : memref<320000xi32, #tpu.memory_space<hbm>> -> memref<80xi32, #tpu.memory_space<hbm>>
        %dma_wait3A_37 = tpu.memref_slice %arg3[%add3A_35] : memref<320000xi32, #tpu.memory_space<hbm>> -> memref<80xi32, #tpu.memory_space<hbm>>
        tpu.wait_dma2 semaphore(%run_scoped3A : memref<!tpu.dma_semaphore, #tpu.memory_space<semaphore_mem>>) src(%dma_wait3A_37 : memref<80xi32, #tpu.memory_space<hbm>>) dst(%arg7 : memref<80xi32, #tpu.memory_space<vmem>>)
        tpu.yield
      }) : () -> ()
      "tpu.region"() ({
        %run_scoped3A = tpu.sem_alloc : memref<!tpu.dma_semaphore, #tpu.memory_space<semaphore_mem>>
        %dma_start3A = arith.constant 0 : i32
        %dma_start3A_36 = arith.constant 0 : i32
        %dma_start3A_37 = tpu.memref_slice %arg12[%dma_start3A, %dma_start3A_36] : memref<10240x16xf32, #tpu.memory_space<vmem_shared>> -> memref<10240x16xf32, #tpu.memory_space<vmem_shared>>
        tpu.enqueue_indirect_dma source(%arg9 : memref<80x16xf32, #tpu.memory_space<vmem>>) target(%dma_start3A_37 : memref<10240x16xf32, #tpu.memory_space<vmem_shared>>) offsets(%arg6 : memref<80xi32, #tpu.memory_space<vmem>>) semaphore(%run_scoped3A : memref<!tpu.dma_semaphore, #tpu.memory_space<semaphore_mem>>) {add = true}
        %dma_wait3A = arith.constant 0 : i32
        %dma_wait3A_38 = arith.constant 0 : i32
        %dma_wait3A_39 = tpu.memref_slice %arg12[%dma_wait3A, %dma_wait3A_38] : memref<10240x16xf32, #tpu.memory_space<vmem_shared>> -> memref<10240x16xf32, #tpu.memory_space<vmem_shared>>
        tpu.wait_indirect_dma semaphore(%run_scoped3A : memref<!tpu.dma_semaphore, #tpu.memory_space<semaphore_mem>>) src(%arg9 : memref<80x16xf32, #tpu.memory_space<vmem>>) dst(%dma_wait3A_39 : memref<10240x16xf32, #tpu.memory_space<vmem_shared>>)
        tpu.yield
      }) : () -> ()
      "tpu.region"() ({
        %run_scoped3A = tpu.sem_alloc : memref<!tpu.dma_semaphore, #tpu.memory_space<semaphore_mem>>
        %dma_start3A = arith.constant 0 : i32
        %dma_start3A_36 = arith.constant 0 : i32
        %dma_start3A_37 = tpu.memref_slice %arg13[%dma_start3A, %dma_start3A_36] : memref<10240x16xf32, #tpu.memory_space<vmem_shared>> -> memref<10240x16xf32, #tpu.memory_space<vmem_shared>>
        tpu.enqueue_indirect_dma source(%arg9 : memref<80x16xf32, #tpu.memory_space<vmem>>) target(%dma_start3A_37 : memref<10240x16xf32, #tpu.memory_space<vmem_shared>>) offsets(%arg7 : memref<80xi32, #tpu.memory_space<vmem>>) semaphore(%run_scoped3A : memref<!tpu.dma_semaphore, #tpu.memory_space<semaphore_mem>>) {add = true}
        %dma_wait3A = arith.constant 0 : i32
        %dma_wait3A_38 = arith.constant 0 : i32
        %dma_wait3A_39 = tpu.memref_slice %arg13[%dma_wait3A, %dma_wait3A_38] : memref<10240x16xf32, #tpu.memory_space<vmem_shared>> -> memref<10240x16xf32, #tpu.memory_space<vmem_shared>>
        tpu.wait_indirect_dma semaphore(%run_scoped3A : memref<!tpu.dma_semaphore, #tpu.memory_space<semaphore_mem>>) src(%arg9 : memref<80x16xf32, #tpu.memory_space<vmem>>) dst(%dma_wait3A_39 : memref<10240x16xf32, #tpu.memory_space<vmem_shared>>)
        tpu.yield
      }) : () -> ()
    }
    %scan3A_21 = arith.constant 125 : i32
    %barrier3A_22 = arith.constant 0 : index
    tpu.barrier barrier_id(%barrier3A_22)
    %scan3A_23 = arith.constant 0 : i32
    %scan3A_24 = arith.constant 8 : i32
    %scan3A_25 = arith.addi %scan3A_23, %scan3A_24 : i32
    %scan3A_26 = arith.constant 1 : i32
    scf.for %scan3A_28 = %scan3A_23 to %scan3A_25 step %scan3A_26  : i32 {
      %mul3A_29 = arith.constant 80 : i32
      %mul3A_30 = arith.muli %scan3A_28, %mul3A_29 : i32
      %add3A_31 = arith.constant 0 : i32
      %add3A_32 = arith.addi %add3A_31, %mul3A_30 : i32
      %add3A_33 = arith.addi %mul3A_4, %add3A_32 : i32
      %scan3A_34 = arith.constant 0 : i32
      %scan3A_35 = arith.constant 5 : i32
      %scan3A_36 = arith.addi %scan3A_34, %scan3A_35 : i32
      %scan3A_37 = arith.constant 1 : i32
      scf.for %scan3A_41 = %scan3A_34 to %scan3A_36 step %scan3A_37  : i32 {
        %mul3A_42 = arith.constant 16 : i32
        %mul3A_43 = arith.muli %scan3A_41, %mul3A_42 : i32
        %add3A_44 = arith.constant 0 : i32
        %add3A_45 = arith.addi %add3A_44, %mul3A_43 : i32
        %add3A_46 = arith.addi %add3A_33, %add3A_45 : i32
        %add3A_47 = vector.broadcast %add3A_46 : i32 to vector<16xi32>
        %add3A_48 = arith.addi %add3A_47, %iota3A : vector<16xi32>
        %swap3A = arith.index_cast %add3A_45 : i32 to index
        %swap3A_49 = tpu.vector_load %arg8[%swap3A] {strides = array<i32>} : memref<80xi32, #tpu.memory_space<vmem>>, vector<16xi32>,
        %swap3A_50 = vector.shape_cast %swap3A_49 : vector<16xi32> to vector<16xi32>
        %swap3A_51 = vector.shape_cast %add3A_48 : vector<16xi32> to vector<16xi32>
        tpu.vector_store %arg8[%swap3A], %swap3A_51 {strides = array<i32>} : memref<80xi32, #tpu.memory_space<vmem>>, vector<16xi32>,
      }
      %scan3A_38 = arith.constant 5 : i32
      "tpu.region"() ({
        %run_scoped3A = tpu.sem_alloc : memref<!tpu.dma_semaphore, #tpu.memory_space<semaphore_mem>>
        %dma_start3A = arith.constant 0 : i32
        %dma_start3A_41 = arith.constant 0 : i32
        %dma_start3A_42 = tpu.memref_slice %arg12[%dma_start3A, %dma_start3A_41] : memref<10240x16xf32, #tpu.memory_space<vmem_shared>> -> memref<10240x16xf32, #tpu.memory_space<vmem_shared>>
        tpu.enqueue_indirect_dma source(%dma_start3A_42 : memref<10240x16xf32, #tpu.memory_space<vmem_shared>>) target(%arg11 : memref<80x16xf32, #tpu.memory_space<vmem>>) offsets(%arg8 : memref<80xi32, #tpu.memory_space<vmem>>) semaphore(%run_scoped3A : memref<!tpu.dma_semaphore, #tpu.memory_space<semaphore_mem>>)
        %dma_wait3A = arith.constant 0 : i32
        %dma_wait3A_43 = arith.constant 0 : i32
        %dma_wait3A_44 = tpu.memref_slice %arg12[%dma_wait3A, %dma_wait3A_43] : memref<10240x16xf32, #tpu.memory_space<vmem_shared>> -> memref<10240x16xf32, #tpu.memory_space<vmem_shared>>
        tpu.wait_indirect_dma semaphore(%run_scoped3A : memref<!tpu.dma_semaphore, #tpu.memory_space<semaphore_mem>>) src(%dma_wait3A_44 : memref<10240x16xf32, #tpu.memory_space<vmem_shared>>) dst(%arg11 : memref<80x16xf32, #tpu.memory_space<vmem>>)
        tpu.yield
      }) : () -> ()
      %add3A_39 = arith.addi %mul3A_4, %add3A_32 : i32
      "tpu.region"() ({
        %run_scoped3A = tpu.sem_alloc : memref<!tpu.dma_semaphore, #tpu.memory_space<semaphore_mem>>
        %dma_start3A = arith.constant 0 : i32
        %dma_start3A_41 = tpu.memref_slice %arg4[%arg0, %add3A_39, %dma_start3A] : memref<2x10240x16xf32, #tpu.memory_space<hbm>> -> memref<1x80x16xf32, #tpu.memory_space<hbm>>
        %dma_start3A_42 = tpu.memref_squeeze %dma_start3A_41 : memref<1x80x16xf32, #tpu.memory_space<hbm>> -> memref<80x16xf32, #tpu.memory_space<hbm>>
        %dma_start3A_43 = arith.constant 0 : i32
        %dma_start3A_44 = tpu.memref_slice %arg4[%arg0, %add3A_39, %dma_start3A_43] : memref<2x10240x16xf32, #tpu.memory_space<hbm>> -> memref<1x80x16xf32, #tpu.memory_space<hbm>>
        %dma_start3A_45 = tpu.memref_squeeze %dma_start3A_44 : memref<1x80x16xf32, #tpu.memory_space<hbm>> -> memref<80x16xf32, #tpu.memory_space<hbm>>
        tpu.enqueue_dma source(%arg11 : memref<80x16xf32, #tpu.memory_space<vmem>>) target(%dma_start3A_45 : memref<80x16xf32, #tpu.memory_space<hbm>>) target_semaphore(%run_scoped3A : memref<!tpu.dma_semaphore, #tpu.memory_space<semaphore_mem>>)
        %dma_wait3A = arith.constant 0 : i32
        %dma_wait3A_46 = tpu.memref_slice %arg4[%arg0, %add3A_39, %dma_wait3A] : memref<2x10240x16xf32, #tpu.memory_space<hbm>> -> memref<1x80x16xf32, #tpu.memory_space<hbm>>
        %dma_wait3A_47 = tpu.memref_squeeze %dma_wait3A_46 : memref<1x80x16xf32, #tpu.memory_space<hbm>> -> memref<80x16xf32, #tpu.memory_space<hbm>>
        %dma_wait3A_48 = arith.constant 0 : i32
        %dma_wait3A_49 = tpu.memref_slice %arg4[%arg0, %add3A_39, %dma_wait3A_48] : memref<2x10240x16xf32, #tpu.memory_space<hbm>> -> memref<1x80x16xf32, #tpu.memory_space<hbm>>
        %dma_wait3A_50 = tpu.memref_squeeze %dma_wait3A_49 : memref<1x80x16xf32, #tpu.memory_space<hbm>> -> memref<80x16xf32, #tpu.memory_space<hbm>>
        tpu.wait_dma2 semaphore(%run_scoped3A : memref<!tpu.dma_semaphore, #tpu.memory_space<semaphore_mem>>) src(%arg11 : memref<80x16xf32, #tpu.memory_space<vmem>>) dst(%dma_wait3A_50 : memref<80x16xf32, #tpu.memory_space<hbm>>)
        tpu.yield
      }) : () -> ()
      "tpu.region"() ({
        %run_scoped3A = tpu.sem_alloc : memref<!tpu.dma_semaphore, #tpu.memory_space<semaphore_mem>>
        %dma_start3A = arith.constant 0 : i32
        %dma_start3A_41 = arith.constant 0 : i32
        %dma_start3A_42 = tpu.memref_slice %arg13[%dma_start3A, %dma_start3A_41] : memref<10240x16xf32, #tpu.memory_space<vmem_shared>> -> memref<10240x16xf32, #tpu.memory_space<vmem_shared>>
        tpu.enqueue_indirect_dma source(%dma_start3A_42 : memref<10240x16xf32, #tpu.memory_space<vmem_shared>>) target(%arg11 : memref<80x16xf32, #tpu.memory_space<vmem>>) offsets(%arg8 : memref<80xi32, #tpu.memory_space<vmem>>) semaphore(%run_scoped3A : memref<!tpu.dma_semaphore, #tpu.memory_space<semaphore_mem>>)
        %dma_wait3A = arith.constant 0 : i32
        %dma_wait3A_43 = arith.constant 0 : i32
        %dma_wait3A_44 = tpu.memref_slice %arg13[%dma_wait3A, %dma_wait3A_43] : memref<10240x16xf32, #tpu.memory_space<vmem_shared>> -> memref<10240x16xf32, #tpu.memory_space<vmem_shared>>
        tpu.wait_indirect_dma semaphore(%run_scoped3A : memref<!tpu.dma_semaphore, #tpu.memory_space<semaphore_mem>>) src(%dma_wait3A_44 : memref<10240x16xf32, #tpu.memory_space<vmem_shared>>) dst(%arg11 : memref<80x16xf32, #tpu.memory_space<vmem>>)
        tpu.yield
      }) : () -> ()
      %add3A_40 = arith.addi %mul3A_4, %add3A_32 : i32
      "tpu.region"() ({
        %run_scoped3A = tpu.sem_alloc : memref<!tpu.dma_semaphore, #tpu.memory_space<semaphore_mem>>
        %dma_start3A = arith.constant 0 : i32
        %dma_start3A_41 = tpu.memref_slice %arg5[%arg0, %add3A_40, %dma_start3A] : memref<2x10240x16xf32, #tpu.memory_space<hbm>> -> memref<1x80x16xf32, #tpu.memory_space<hbm>>
        %dma_start3A_42 = tpu.memref_squeeze %dma_start3A_41 : memref<1x80x16xf32, #tpu.memory_space<hbm>> -> memref<80x16xf32, #tpu.memory_space<hbm>>
        %dma_start3A_43 = arith.constant 0 : i32
        %dma_start3A_44 = tpu.memref_slice %arg5[%arg0, %add3A_40, %dma_start3A_43] : memref<2x10240x16xf32, #tpu.memory_space<hbm>> -> memref<1x80x16xf32, #tpu.memory_space<hbm>>
        %dma_start3A_45 = tpu.memref_squeeze %dma_start3A_44 : memref<1x80x16xf32, #tpu.memory_space<hbm>> -> memref<80x16xf32, #tpu.memory_space<hbm>>
        tpu.enqueue_dma source(%arg11 : memref<80x16xf32, #tpu.memory_space<vmem>>) target(%dma_start3A_45 : memref<80x16xf32, #tpu.memory_space<hbm>>) target_semaphore(%run_scoped3A : memref<!tpu.dma_semaphore, #tpu.memory_space<semaphore_mem>>)
        %dma_wait3A = arith.constant 0 : i32
        %dma_wait3A_46 = tpu.memref_slice %arg5[%arg0, %add3A_40, %dma_wait3A] : memref<2x10240x16xf32, #tpu.memory_space<hbm>> -> memref<1x80x16xf32, #tpu.memory_space<hbm>>
        %dma_wait3A_47 = tpu.memref_squeeze %dma_wait3A_46 : memref<1x80x16xf32, #tpu.memory_space<hbm>> -> memref<80x16xf32, #tpu.memory_space<hbm>>
        %dma_wait3A_48 = arith.constant 0 : i32
        %dma_wait3A_49 = tpu.memref_slice %arg5[%arg0, %add3A_40, %dma_wait3A_48] : memref<2x10240x16xf32, #tpu.memory_space<hbm>> -> memref<1x80x16xf32, #tpu.memory_space<hbm>>
        %dma_wait3A_50 = tpu.memref_squeeze %dma_wait3A_49 : memref<1x80x16xf32, #tpu.memory_space<hbm>> -> memref<80x16xf32, #tpu.memory_space<hbm>>
        tpu.wait_dma2 semaphore(%run_scoped3A : memref<!tpu.dma_semaphore, #tpu.memory_space<semaphore_mem>>) src(%arg11 : memref<80x16xf32, #tpu.memory_space<vmem>>) dst(%dma_wait3A_50 : memref<80x16xf32, #tpu.memory_space<hbm>>)
        tpu.yield
      }) : () -> ()
    }
    %scan3A_27 = arith.constant 8 : i32
    return
  }
}

#map = affine_map<(d0, d1) -> (0, 0)>
#map1 = affine_map<(d0, d1) -> (0)>
#map2 = affine_map<(d0, d1) -> (0, 0, 0)>
module attributes {stable_mosaic.version = 14 : i64} {
  func.func @k(%arg0: i32, %arg1: i32, %arg2: memref<10240x128xf32, #tpu.memory_space<hbm>>, %arg3: memref<320000xi32, #tpu.memory_space<hbm>>, %arg4: memref<320000xi32, #tpu.memory_space<hbm>>, %arg5: memref<2x10240x128xf32, #tpu.memory_space<hbm>>, %arg6: memref<80xi32, #tpu.memory_space<vmem>>, %arg7: memref<80xi32, #tpu.memory_space<vmem>>, %arg8: memref<80xi32, #tpu.memory_space<vmem>>, %arg9: memref<80x128xf32, #tpu.memory_space<vmem>>, %arg10: memref<80x128xf32, #tpu.memory_space<vmem>>, %arg11: memref<10240x128xf32, #tpu.memory_space<vmem_shared>>, %arg12: memref<!tpu.dma_semaphore, #tpu.memory_space<semaphore_mem>>) attributes {dimension_semantics = [#tpu.dimension_semantics<core_parallel>, #tpu.dimension_semantics<subcore_parallel>], iteration_bounds = array<i64: 2, 16>, scalar_prefetch = 0 : i64, scratch_operands = 7 : i64, tpu.core_type = #tpu.core_type<sc_vector_subcore>, window_params = [{transform_indices = #map}, {transform_indices = #map1}, {transform_indices = #map1}, {transform_indices = #map2}]} {
    %mul3A = arith.constant 16 : i32
    %mul3A_0 = arith.muli %arg0, %mul3A : i32
    %add3A = arith.addi %mul3A_0, %arg1 : i32
    %mul3A_1 = arith.constant 10000 : i32
    %mul3A_2 = arith.muli %add3A, %mul3A_1 : i32
    %mul3A_3 = arith.constant 640 : i32
    %mul3A_4 = arith.muli %arg1, %mul3A_3 : i32
    %iota3A = tpu.iota {dimensions = array<i32: 0>} : vector<16xi32>
    %broadcast_in_dim3A = arith.constant 0.000000e+00 : f32
    %broadcast_in_dim3A_5 = vector.broadcast %broadcast_in_dim3A : f32 to vector<16xf32>
    %scan3A = arith.constant 0 : i32
    %scan3A_6 = arith.constant 80 : i32
    %scan3A_7 = arith.addi %scan3A, %scan3A_6 : i32
    %scan3A_8 = arith.constant 1 : i32
    scf.for %scan3A_26 = %scan3A to %scan3A_7 step %scan3A_8  : i32 {
      %mul3A_27 = arith.constant 1 : i32
      %mul3A_28 = arith.muli %scan3A_26, %mul3A_27 : i32
      %add3A_29 = arith.constant 0 : i32
      %add3A_30 = arith.addi %add3A_29, %mul3A_28 : i32
      %scan3A_31 = arith.constant 0 : i32
      %scan3A_32 = arith.constant 8 : i32
      %scan3A_33 = arith.addi %scan3A_31, %scan3A_32 : i32
      %scan3A_34 = arith.constant 1 : i32
      scf.for %scan3A_36 = %scan3A_31 to %scan3A_33 step %scan3A_34  : i32 {
        %mul3A_37 = arith.constant 16 : i32
        %mul3A_38 = arith.muli %scan3A_36, %mul3A_37 : i32
        %add3A_39 = arith.constant 0 : i32
        %add3A_40 = arith.addi %add3A_39, %mul3A_38 : i32
        %swap3A = arith.index_cast %add3A_30 : i32 to index
        %swap3A_41 = arith.index_cast %add3A_40 : i32 to index
        %swap3A_42 = tpu.vector_load %arg10[%swap3A, %swap3A_41] {strides = array<i32>} : memref<80x128xf32, #tpu.memory_space<vmem>>, vector<1x16xf32>,
        %swap3A_43 = vector.shape_cast %swap3A_42 : vector<1x16xf32> to vector<16xf32>
        %swap3A_44 = vector.shape_cast %broadcast_in_dim3A_5 : vector<16xf32> to vector<1x16xf32>
        tpu.vector_store %arg10[%swap3A, %swap3A_41], %swap3A_44 {strides = array<i32>} : memref<80x128xf32, #tpu.memory_space<vmem>>, vector<1x16xf32>,
      }
      %scan3A_35 = arith.constant 8 : i32
    }
    %scan3A_9 = arith.constant 80 : i32
    %scan3A_10 = arith.constant 0 : i32
    %scan3A_11 = arith.constant 8 : i32
    %scan3A_12 = arith.addi %scan3A_10, %scan3A_11 : i32
    %scan3A_13 = arith.constant 1 : i32
    scf.for %scan3A_26 = %scan3A_10 to %scan3A_12 step %scan3A_13  : i32 {
      %mul3A_27 = arith.constant 80 : i32
      %mul3A_28 = arith.muli %scan3A_26, %mul3A_27 : i32
      %add3A_29 = arith.constant 0 : i32
      %add3A_30 = arith.addi %add3A_29, %mul3A_28 : i32
      %add3A_31 = arith.addi %mul3A_4, %add3A_30 : i32
      %scan3A_32 = arith.constant 0 : i32
      %scan3A_33 = arith.constant 5 : i32
      %scan3A_34 = arith.addi %scan3A_32, %scan3A_33 : i32
      %scan3A_35 = arith.constant 1 : i32
      scf.for %scan3A_37 = %scan3A_32 to %scan3A_34 step %scan3A_35  : i32 {
        %mul3A_38 = arith.constant 16 : i32
        %mul3A_39 = arith.muli %scan3A_37, %mul3A_38 : i32
        %add3A_40 = arith.constant 0 : i32
        %add3A_41 = arith.addi %add3A_40, %mul3A_39 : i32
        %add3A_42 = arith.addi %add3A_31, %add3A_41 : i32
        %add3A_43 = vector.broadcast %add3A_42 : i32 to vector<16xi32>
        %add3A_44 = arith.addi %add3A_43, %iota3A : vector<16xi32>
        %swap3A = arith.index_cast %add3A_41 : i32 to index
        %swap3A_45 = tpu.vector_load %arg8[%swap3A] {strides = array<i32>} : memref<80xi32, #tpu.memory_space<vmem>>, vector<16xi32>,
        %swap3A_46 = vector.shape_cast %swap3A_45 : vector<16xi32> to vector<16xi32>
        %swap3A_47 = vector.shape_cast %add3A_44 : vector<16xi32> to vector<16xi32>
        tpu.vector_store %arg8[%swap3A], %swap3A_47 {strides = array<i32>} : memref<80xi32, #tpu.memory_space<vmem>>, vector<16xi32>,
      }
      %scan3A_36 = arith.constant 5 : i32
      "tpu.region"() ({
        %run_scoped3A = tpu.sem_alloc : memref<!tpu.dma_semaphore, #tpu.memory_space<semaphore_mem>>
        %dma_start3A = arith.constant 0 : i32
        %dma_start3A_37 = arith.constant 0 : i32
        %dma_start3A_38 = tpu.memref_slice %arg11[%dma_start3A, %dma_start3A_37] : memref<10240x128xf32, #tpu.memory_space<vmem_shared>> -> memref<10240x128xf32, #tpu.memory_space<vmem_shared>>
        tpu.enqueue_indirect_dma source(%arg10 : memref<80x128xf32, #tpu.memory_space<vmem>>) target(%dma_start3A_38 : memref<10240x128xf32, #tpu.memory_space<vmem_shared>>) offsets(%arg8 : memref<80xi32, #tpu.memory_space<vmem>>) semaphore(%run_scoped3A : memref<!tpu.dma_semaphore, #tpu.memory_space<semaphore_mem>>)
        %dma_wait3A = arith.constant 0 : i32
        %dma_wait3A_39 = arith.constant 0 : i32
        %dma_wait3A_40 = tpu.memref_slice %arg11[%dma_wait3A, %dma_wait3A_39] : memref<10240x128xf32, #tpu.memory_space<vmem_shared>> -> memref<10240x128xf32, #tpu.memory_space<vmem_shared>>
        tpu.wait_indirect_dma semaphore(%run_scoped3A : memref<!tpu.dma_semaphore, #tpu.memory_space<semaphore_mem>>) src(%arg10 : memref<80x128xf32, #tpu.memory_space<vmem>>) dst(%dma_wait3A_40 : memref<10240x128xf32, #tpu.memory_space<vmem_shared>>)
        tpu.yield
      }) : () -> ()
    }
    %scan3A_14 = arith.constant 8 : i32
    %barrier3A = arith.constant 0 : index
    tpu.barrier barrier_id(%barrier3A)
    %scan3A_15 = arith.constant 0 : i32
    %scan3A_16 = arith.constant 125 : i32
    %scan3A_17 = arith.addi %scan3A_15, %scan3A_16 : i32
    %scan3A_18 = arith.constant 1 : i32
    scf.for %scan3A_26 = %scan3A_15 to %scan3A_17 step %scan3A_18  : i32 {
      %mul3A_27 = arith.constant 1 : i32
      %mul3A_28 = arith.muli %scan3A_26, %mul3A_27 : i32
      %add3A_29 = arith.constant 0 : i32
      %add3A_30 = arith.addi %add3A_29, %mul3A_28 : i32
      %mul3A_31 = arith.constant 80 : i32
      %mul3A_32 = arith.muli %add3A_30, %mul3A_31 : i32
      %add3A_33 = arith.addi %mul3A_2, %mul3A_32 : i32
      "tpu.region"() ({
        %run_scoped3A = tpu.sem_alloc : memref<!tpu.dma_semaphore, #tpu.memory_space<semaphore_mem>>
        %dma_start3A_38 = tpu.memref_slice %arg3[%add3A_33] : memref<320000xi32, #tpu.memory_space<hbm>> -> memref<80xi32, #tpu.memory_space<hbm>>
        %dma_start3A_39 = tpu.memref_slice %arg3[%add3A_33] : memref<320000xi32, #tpu.memory_space<hbm>> -> memref<80xi32, #tpu.memory_space<hbm>>
        tpu.enqueue_dma source(%dma_start3A_39 : memref<80xi32, #tpu.memory_space<hbm>>) target(%arg6 : memref<80xi32, #tpu.memory_space<vmem>>) target_semaphore(%run_scoped3A : memref<!tpu.dma_semaphore, #tpu.memory_space<semaphore_mem>>)
        %dma_wait3A_40 = tpu.memref_slice %arg3[%add3A_33] : memref<320000xi32, #tpu.memory_space<hbm>> -> memref<80xi32, #tpu.memory_space<hbm>>
        %dma_wait3A_41 = tpu.memref_slice %arg3[%add3A_33] : memref<320000xi32, #tpu.memory_space<hbm>> -> memref<80xi32, #tpu.memory_space<hbm>>
        tpu.wait_dma2 semaphore(%run_scoped3A : memref<!tpu.dma_semaphore, #tpu.memory_space<semaphore_mem>>) src(%dma_wait3A_41 : memref<80xi32, #tpu.memory_space<hbm>>) dst(%arg6 : memref<80xi32, #tpu.memory_space<vmem>>)
        tpu.yield
      }) : () -> ()
      "tpu.region"() ({
        %run_scoped3A = tpu.sem_alloc : memref<!tpu.dma_semaphore, #tpu.memory_space<semaphore_mem>>
        %dma_start3A_38 = tpu.memref_slice %arg4[%add3A_33] : memref<320000xi32, #tpu.memory_space<hbm>> -> memref<80xi32, #tpu.memory_space<hbm>>
        %dma_start3A_39 = tpu.memref_slice %arg4[%add3A_33] : memref<320000xi32, #tpu.memory_space<hbm>> -> memref<80xi32, #tpu.memory_space<hbm>>
        tpu.enqueue_dma source(%dma_start3A_39 : memref<80xi32, #tpu.memory_space<hbm>>) target(%arg7 : memref<80xi32, #tpu.memory_space<vmem>>) target_semaphore(%run_scoped3A : memref<!tpu.dma_semaphore, #tpu.memory_space<semaphore_mem>>)
        %dma_wait3A_40 = tpu.memref_slice %arg4[%add3A_33] : memref<320000xi32, #tpu.memory_space<hbm>> -> memref<80xi32, #tpu.memory_space<hbm>>
        %dma_wait3A_41 = tpu.memref_slice %arg4[%add3A_33] : memref<320000xi32, #tpu.memory_space<hbm>> -> memref<80xi32, #tpu.memory_space<hbm>>
        tpu.wait_dma2 semaphore(%run_scoped3A : memref<!tpu.dma_semaphore, #tpu.memory_space<semaphore_mem>>) src(%dma_wait3A_41 : memref<80xi32, #tpu.memory_space<hbm>>) dst(%arg7 : memref<80xi32, #tpu.memory_space<vmem>>)
        tpu.yield
      }) : () -> ()
      %dma_start3A = arith.constant 0 : i32
      %dma_start3A_34 = arith.constant 0 : i32
      %dma_start3A_35 = tpu.memref_slice %arg2[%dma_start3A, %dma_start3A_34] : memref<10240x128xf32, #tpu.memory_space<hbm>> -> memref<10240x128xf32, #tpu.memory_space<hbm>>
      tpu.enqueue_indirect_dma source(%dma_start3A_35 : memref<10240x128xf32, #tpu.memory_space<hbm>>) target(%arg9 : memref<80x128xf32, #tpu.memory_space<vmem>>) offsets(%arg6 : memref<80xi32, #tpu.memory_space<vmem>>) semaphore(%arg12 : memref<!tpu.dma_semaphore, #tpu.memory_space<semaphore_mem>>)
      %dma_wait3A = arith.constant 0 : i32
      %dma_wait3A_36 = arith.constant 0 : i32
      %dma_wait3A_37 = tpu.memref_slice %arg2[%dma_wait3A, %dma_wait3A_36] : memref<10240x128xf32, #tpu.memory_space<hbm>> -> memref<10240x128xf32, #tpu.memory_space<hbm>>
      tpu.wait_indirect_dma semaphore(%arg12 : memref<!tpu.dma_semaphore, #tpu.memory_space<semaphore_mem>>) src(%dma_wait3A_37 : memref<10240x128xf32, #tpu.memory_space<hbm>>) dst(%arg9 : memref<80x128xf32, #tpu.memory_space<vmem>>)
      "tpu.region"() ({
        %run_scoped3A = tpu.sem_alloc : memref<!tpu.dma_semaphore, #tpu.memory_space<semaphore_mem>>
        %dma_start3A_38 = arith.constant 0 : i32
        %dma_start3A_39 = arith.constant 0 : i32
        %dma_start3A_40 = tpu.memref_slice %arg11[%dma_start3A_38, %dma_start3A_39] : memref<10240x128xf32, #tpu.memory_space<vmem_shared>> -> memref<10240x128xf32, #tpu.memory_space<vmem_shared>>
        tpu.enqueue_indirect_dma source(%arg9 : memref<80x128xf32, #tpu.memory_space<vmem>>) target(%dma_start3A_40 : memref<10240x128xf32, #tpu.memory_space<vmem_shared>>) offsets(%arg7 : memref<80xi32, #tpu.memory_space<vmem>>) semaphore(%run_scoped3A : memref<!tpu.dma_semaphore, #tpu.memory_space<semaphore_mem>>) {add = true}
        %dma_wait3A_41 = arith.constant 0 : i32
        %dma_wait3A_42 = arith.constant 0 : i32
        %dma_wait3A_43 = tpu.memref_slice %arg11[%dma_wait3A_41, %dma_wait3A_42] : memref<10240x128xf32, #tpu.memory_space<vmem_shared>> -> memref<10240x128xf32, #tpu.memory_space<vmem_shared>>
        tpu.wait_indirect_dma semaphore(%run_scoped3A : memref<!tpu.dma_semaphore, #tpu.memory_space<semaphore_mem>>) src(%arg9 : memref<80x128xf32, #tpu.memory_space<vmem>>) dst(%dma_wait3A_43 : memref<10240x128xf32, #tpu.memory_space<vmem_shared>>)
        tpu.yield
      }) : () -> ()
    }
    %scan3A_19 = arith.constant 125 : i32
    %barrier3A_20 = arith.constant 0 : index
    tpu.barrier barrier_id(%barrier3A_20)
    %scan3A_21 = arith.constant 0 : i32
    %scan3A_22 = arith.constant 8 : i32
    %scan3A_23 = arith.addi %scan3A_21, %scan3A_22 : i32
    %scan3A_24 = arith.constant 1 : i32
    scf.for %scan3A_26 = %scan3A_21 to %scan3A_23 step %scan3A_24  : i32 {
      %mul3A_27 = arith.constant 80 : i32
      %mul3A_28 = arith.muli %scan3A_26, %mul3A_27 : i32
      %add3A_29 = arith.constant 0 : i32
      %add3A_30 = arith.addi %add3A_29, %mul3A_28 : i32
      %add3A_31 = arith.addi %mul3A_4, %add3A_30 : i32
      %scan3A_32 = arith.constant 0 : i32
      %scan3A_33 = arith.constant 5 : i32
      %scan3A_34 = arith.addi %scan3A_32, %scan3A_33 : i32
      %scan3A_35 = arith.constant 1 : i32
      scf.for %scan3A_38 = %scan3A_32 to %scan3A_34 step %scan3A_35  : i32 {
        %mul3A_39 = arith.constant 16 : i32
        %mul3A_40 = arith.muli %scan3A_38, %mul3A_39 : i32
        %add3A_41 = arith.constant 0 : i32
        %add3A_42 = arith.addi %add3A_41, %mul3A_40 : i32
        %add3A_43 = arith.addi %add3A_31, %add3A_42 : i32
        %add3A_44 = vector.broadcast %add3A_43 : i32 to vector<16xi32>
        %add3A_45 = arith.addi %add3A_44, %iota3A : vector<16xi32>
        %swap3A = arith.index_cast %add3A_42 : i32 to index
        %swap3A_46 = tpu.vector_load %arg8[%swap3A] {strides = array<i32>} : memref<80xi32, #tpu.memory_space<vmem>>, vector<16xi32>,
        %swap3A_47 = vector.shape_cast %swap3A_46 : vector<16xi32> to vector<16xi32>
        %swap3A_48 = vector.shape_cast %add3A_45 : vector<16xi32> to vector<16xi32>
        tpu.vector_store %arg8[%swap3A], %swap3A_48 {strides = array<i32>} : memref<80xi32, #tpu.memory_space<vmem>>, vector<16xi32>,
      }
      %scan3A_36 = arith.constant 5 : i32
      "tpu.region"() ({
        %run_scoped3A = tpu.sem_alloc : memref<!tpu.dma_semaphore, #tpu.memory_space<semaphore_mem>>
        %dma_start3A = arith.constant 0 : i32
        %dma_start3A_38 = arith.constant 0 : i32
        %dma_start3A_39 = tpu.memref_slice %arg11[%dma_start3A, %dma_start3A_38] : memref<10240x128xf32, #tpu.memory_space<vmem_shared>> -> memref<10240x128xf32, #tpu.memory_space<vmem_shared>>
        tpu.enqueue_indirect_dma source(%dma_start3A_39 : memref<10240x128xf32, #tpu.memory_space<vmem_shared>>) target(%arg9 : memref<80x128xf32, #tpu.memory_space<vmem>>) offsets(%arg8 : memref<80xi32, #tpu.memory_space<vmem>>) semaphore(%run_scoped3A : memref<!tpu.dma_semaphore, #tpu.memory_space<semaphore_mem>>)
        %dma_wait3A = arith.constant 0 : i32
        %dma_wait3A_40 = arith.constant 0 : i32
        %dma_wait3A_41 = tpu.memref_slice %arg11[%dma_wait3A, %dma_wait3A_40] : memref<10240x128xf32, #tpu.memory_space<vmem_shared>> -> memref<10240x128xf32, #tpu.memory_space<vmem_shared>>
        tpu.wait_indirect_dma semaphore(%run_scoped3A : memref<!tpu.dma_semaphore, #tpu.memory_space<semaphore_mem>>) src(%dma_wait3A_41 : memref<10240x128xf32, #tpu.memory_space<vmem_shared>>) dst(%arg9 : memref<80x128xf32, #tpu.memory_space<vmem>>)
        tpu.yield
      }) : () -> ()
      %add3A_37 = arith.addi %mul3A_4, %add3A_30 : i32
      "tpu.region"() ({
        %run_scoped3A = tpu.sem_alloc : memref<!tpu.dma_semaphore, #tpu.memory_space<semaphore_mem>>
        %dma_start3A = arith.constant 0 : i32
        %dma_start3A_38 = tpu.memref_slice %arg5[%arg0, %add3A_37, %dma_start3A] : memref<2x10240x128xf32, #tpu.memory_space<hbm>> -> memref<1x80x128xf32, #tpu.memory_space<hbm>>
        %dma_start3A_39 = tpu.memref_squeeze %dma_start3A_38 : memref<1x80x128xf32, #tpu.memory_space<hbm>> -> memref<80x128xf32, #tpu.memory_space<hbm>>
        %dma_start3A_40 = arith.constant 0 : i32
        %dma_start3A_41 = tpu.memref_slice %arg5[%arg0, %add3A_37, %dma_start3A_40] : memref<2x10240x128xf32, #tpu.memory_space<hbm>> -> memref<1x80x128xf32, #tpu.memory_space<hbm>>
        %dma_start3A_42 = tpu.memref_squeeze %dma_start3A_41 : memref<1x80x128xf32, #tpu.memory_space<hbm>> -> memref<80x128xf32, #tpu.memory_space<hbm>>
        tpu.enqueue_dma source(%arg9 : memref<80x128xf32, #tpu.memory_space<vmem>>) target(%dma_start3A_42 : memref<80x128xf32, #tpu.memory_space<hbm>>) target_semaphore(%run_scoped3A : memref<!tpu.dma_semaphore, #tpu.memory_space<semaphore_mem>>)
        %dma_wait3A = arith.constant 0 : i32
        %dma_wait3A_43 = tpu.memref_slice %arg5[%arg0, %add3A_37, %dma_wait3A] : memref<2x10240x128xf32, #tpu.memory_space<hbm>> -> memref<1x80x128xf32, #tpu.memory_space<hbm>>
        %dma_wait3A_44 = tpu.memref_squeeze %dma_wait3A_43 : memref<1x80x128xf32, #tpu.memory_space<hbm>> -> memref<80x128xf32, #tpu.memory_space<hbm>>
        %dma_wait3A_45 = arith.constant 0 : i32
        %dma_wait3A_46 = tpu.memref_slice %arg5[%arg0, %add3A_37, %dma_wait3A_45] : memref<2x10240x128xf32, #tpu.memory_space<hbm>> -> memref<1x80x128xf32, #tpu.memory_space<hbm>>
        %dma_wait3A_47 = tpu.memref_squeeze %dma_wait3A_46 : memref<1x80x128xf32, #tpu.memory_space<hbm>> -> memref<80x128xf32, #tpu.memory_space<hbm>>
        tpu.wait_dma2 semaphore(%run_scoped3A : memref<!tpu.dma_semaphore, #tpu.memory_space<semaphore_mem>>) src(%arg9 : memref<80x128xf32, #tpu.memory_space<vmem>>) dst(%dma_wait3A_47 : memref<80x128xf32, #tpu.memory_space<hbm>>)
        tpu.yield
      }) : () -> ()
    }
    %scan3A_25 = arith.constant 8 : i32
    return
  }
}

module attributes {stable_mosaic.version = 14 : i64} {
  func.func @_tc2_body(%arg0: i32, %arg1: memref<2x1024x128xf32, #tpu.memory_space<vmem>>, %arg2: memref<2x1024x16xf32, #tpu.memory_space<vmem>>, %arg3: memref<2x1024x16xf32, #tpu.memory_space<vmem>>, %arg4: memref<1x128xf32, #tpu.memory_space<vmem>>, %arg5: memref<128x128xf32, #tpu.memory_space<vmem>>, %arg6: memref<1024x128xf32, #tpu.memory_space<vmem>>) attributes {dimension_semantics = [#tpu.dimension_semantics<arbitrary>], iteration_bounds = array<i64: 10>, scalar_prefetch = 0 : i64, scratch_operands = 0 : i64, tpu.core_type = #tpu.core_type<tc>, window_params = [{transform_indices = @transform_0, window_bounds = array<i64: 2, 1024, 128>}, {transform_indices = @transform_1, window_bounds = array<i64: 2, 1024, 16>}, {transform_indices = @transform_2, window_bounds = array<i64: 2, 1024, 16>}, {pipeline_mode = #tpu.pipeline_mode<synchronous>, transform_indices = @transform_3, window_bounds = array<i64: 1, 128>}, {pipeline_mode = #tpu.pipeline_mode<synchronous>, transform_indices = @transform_4, window_bounds = array<i64: 128, 128>}, {transform_indices = @transform_5, window_bounds = array<i64: 1024, 128>}]} {
    %get3A = arith.constant 0 : index
    %get3A_0 = arith.constant 0 : index
    %get3A_1 = arith.constant 0 : index
    %get3A_2 = vector.load %arg2[%get3A, %get3A_0, %get3A_1] : memref<2x1024x16xf32, #tpu.memory_space<vmem>>, vector<1x1024x16xf32>
    %get3A_3 = vector.shape_cast %get3A_2 : vector<1x1024x16xf32> to vector<1024x16xf32>
    %get3A_4 = arith.constant 1 : index
    %get3A_5 = arith.constant 0 : index
    %get3A_6 = arith.constant 0 : index
    %get3A_7 = vector.load %arg2[%get3A_4, %get3A_5, %get3A_6] : memref<2x1024x16xf32, #tpu.memory_space<vmem>>, vector<1x1024x16xf32>
    %get3A_8 = vector.shape_cast %get3A_7 : vector<1x1024x16xf32> to vector<1024x16xf32>
    %add3A = arith.addf %get3A_3, %get3A_8 : vector<1024x16xf32>
    %slice3A = vector.extract_strided_slice %add3A {offsets = [0, 0], sizes = [1024, 1], strides = [1, 1]} : vector<1024x16xf32> to vector<1024x1xf32>
    %squeeze3A = vector.shape_cast %slice3A : vector<1024x1xf32> to vector<1024xf32>
    %max3A = arith.constant 1.000000e+00 : f32
    %max3A_9 = vector.broadcast %max3A : f32 to vector<1024xf32>
    %max3A_10 = arith.maximumf %squeeze3A, %max3A_9 : vector<1024xf32>
    %rsqrt3A = math.rsqrt %max3A_10 : vector<1024xf32>
    %get3A_11 = arith.constant 0 : index
    %get3A_12 = arith.constant 0 : index
    %get3A_13 = arith.constant 0 : index
    %get3A_14 = vector.load %arg3[%get3A_11, %get3A_12, %get3A_13] : memref<2x1024x16xf32, #tpu.memory_space<vmem>>, vector<1x1024x16xf32>
    %get3A_15 = vector.shape_cast %get3A_14 : vector<1x1024x16xf32> to vector<1024x16xf32>
    %get3A_16 = arith.constant 1 : index
    %get3A_17 = arith.constant 0 : index
    %get3A_18 = arith.constant 0 : index
    %get3A_19 = vector.load %arg3[%get3A_16, %get3A_17, %get3A_18] : memref<2x1024x16xf32, #tpu.memory_space<vmem>>, vector<1x1024x16xf32>
    %get3A_20 = vector.shape_cast %get3A_19 : vector<1x1024x16xf32> to vector<1024x16xf32>
    %add3A_21 = arith.addf %get3A_15, %get3A_20 : vector<1024x16xf32>
    %slice3A_22 = vector.extract_strided_slice %add3A_21 {offsets = [0, 0], sizes = [1024, 1], strides = [1, 1]} : vector<1024x16xf32> to vector<1024x1xf32>
    %squeeze3A_23 = vector.shape_cast %slice3A_22 : vector<1024x1xf32> to vector<1024xf32>
    %max3A_24 = arith.constant 1.000000e+00 : f32
    %max3A_25 = vector.broadcast %max3A_24 : f32 to vector<1024xf32>
    %max3A_26 = arith.maximumf %squeeze3A_23, %max3A_25 : vector<1024xf32>
    %rsqrt3A_27 = math.rsqrt %max3A_26 : vector<1024xf32>
    %get3A_28 = arith.constant 0 : index
    %get3A_29 = arith.constant 0 : index
    %get3A_30 = arith.constant 0 : index
    %get3A_31 = vector.load %arg1[%get3A_28, %get3A_29, %get3A_30] : memref<2x1024x128xf32, #tpu.memory_space<vmem>>, vector<1x1024x128xf32>
    %get3A_32 = vector.shape_cast %get3A_31 : vector<1x1024x128xf32> to vector<1024x128xf32>
    %get3A_33 = arith.constant 1 : index
    %get3A_34 = arith.constant 0 : index
    %get3A_35 = arith.constant 0 : index
    %get3A_36 = vector.load %arg1[%get3A_33, %get3A_34, %get3A_35] : memref<2x1024x128xf32, #tpu.memory_space<vmem>>, vector<1x1024x128xf32>
    %get3A_37 = vector.shape_cast %get3A_36 : vector<1x1024x128xf32> to vector<1024x128xf32>
    %add3A_38 = arith.addf %get3A_32, %get3A_37 : vector<1024x128xf32>
    %broadcast_in_dim3A = vector.shape_cast %rsqrt3A : vector<1024xf32> to vector<1024x1xf32>
    %mul3A = vector.broadcast %broadcast_in_dim3A : vector<1024x1xf32> to vector<1024x128xf32>
    %mul3A_39 = arith.mulf %add3A_38, %mul3A : vector<1024x128xf32>
    %get3A_40 = arith.constant 0 : index
    %get3A_41 = arith.constant 0 : index
    %get3A_42 = vector.load %arg4[%get3A_40, %get3A_41] : memref<1x128xf32, #tpu.memory_space<vmem>>, vector<1x128xf32>
    %add3A_43 = vector.broadcast %get3A_42 : vector<1x128xf32> to vector<1024x128xf32>
    %add3A_44 = arith.addf %mul3A_39, %add3A_43 : vector<1024x128xf32>
    %max3A_45 = arith.constant 0.000000e+00 : f32
    %max3A_46 = vector.broadcast %max3A_45 : f32 to vector<1024x128xf32>
    %max3A_47 = arith.maximumf %add3A_44, %max3A_46 : vector<1024x128xf32>
    %broadcast_in_dim3A_48 = vector.shape_cast %rsqrt3A_27 : vector<1024xf32> to vector<1024x1xf32>
    %mul3A_49 = vector.broadcast %broadcast_in_dim3A_48 : vector<1024x1xf32> to vector<1024x128xf32>
    %mul3A_50 = arith.mulf %max3A_47, %mul3A_49 : vector<1024x128xf32>
    %get3A_51 = arith.constant 0 : index
    %get3A_52 = arith.constant 0 : index
    %get3A_53 = vector.load %arg5[%get3A_51, %get3A_52] : memref<128x128xf32, #tpu.memory_space<vmem>>, vector<128x128xf32>
    %dot_general3A = arith.constant dense<0.000000e+00> : vector<1024x128xf32>
    %dot_general3A_54 = tpu.matmul %mul3A_50, %get3A_53, %dot_general3A {dimension_numbers = #tpu.dot_dimension_numbers<[1], [0], [0], [1], [0, 0, 1, 1], [], []>, transpose_lhs_hint = false} : vector<1024x128xf32>, vector<128x128xf32>, vector<1024x128xf32> -> vector<1024x128xf32>
    %swap3A = arith.constant 0 : index
    %swap3A_55 = arith.constant 0 : index
    %swap3A_56 = vector.load %arg6[%swap3A, %swap3A_55] : memref<1024x128xf32, #tpu.memory_space<vmem>>, vector<1024x128xf32>
    tpu.vector_store %arg6[%swap3A, %swap3A_55], %dot_general3A_54 {strides = array<i32>} : memref<1024x128xf32, #tpu.memory_space<vmem>>, vector<1024x128xf32>,
    return
  }
  func.func @transform_0(%arg0: i32) -> (i32, i32, i32) {
    %c0_i32 = arith.constant 0 : i32
    %c0_i32_0 = arith.constant 0 : i32
    %c0_i32_1 = arith.constant 0 : i32
    return %c0_i32, %arg0, %c0_i32_0 : i32, i32, i32
  }
  func.func @transform_1(%arg0: i32) -> (i32, i32, i32) {
    %c0_i32 = arith.constant 0 : i32
    %c0_i32_0 = arith.constant 0 : i32
    %c0_i32_1 = arith.constant 0 : i32
    return %c0_i32, %arg0, %c0_i32_0 : i32, i32, i32
  }
  func.func @transform_2(%arg0: i32) -> (i32, i32, i32) {
    %c0_i32 = arith.constant 0 : i32
    %c0_i32_0 = arith.constant 0 : i32
    %c0_i32_1 = arith.constant 0 : i32
    return %c0_i32, %arg0, %c0_i32_0 : i32, i32, i32
  }
  func.func @transform_3(%arg0: i32) -> (i32, i32) {
    %c0_i32 = arith.constant 0 : i32
    %c0_i32_0 = arith.constant 0 : i32
    %c0_i32_1 = arith.constant 0 : i32
    return %c0_i32, %c0_i32_0 : i32, i32
  }
  func.func @transform_4(%arg0: i32) -> (i32, i32) {
    %c0_i32 = arith.constant 0 : i32
    %c0_i32_0 = arith.constant 0 : i32
    %c0_i32_1 = arith.constant 0 : i32
    return %c0_i32, %c0_i32_0 : i32, i32
  }
  func.func @transform_5(%arg0: i32) -> (i32, i32) {
    %c0_i32 = arith.constant 0 : i32
    %c0_i32_0 = arith.constant 0 : i32
    return %arg0, %c0_i32 : i32, i32
  }
}

module attributes {stable_mosaic.version = 14 : i64} {
  func.func @_tc3_body(%arg0: i32, %arg1: memref<2x1024x128xf32, #tpu.memory_space<vmem>>, %arg2: memref<2x1024x16xf32, #tpu.memory_space<vmem>>, %arg3: memref<1x128xf32, #tpu.memory_space<vmem>>, %arg4: memref<1024x128xf32, #tpu.memory_space<vmem>>) attributes {dimension_semantics = [#tpu.dimension_semantics<arbitrary>], iteration_bounds = array<i64: 10>, scalar_prefetch = 0 : i64, scratch_operands = 0 : i64, tpu.core_type = #tpu.core_type<tc>, window_params = [{transform_indices = @transform_0, window_bounds = array<i64: 2, 1024, 128>}, {transform_indices = @transform_1, window_bounds = array<i64: 2, 1024, 16>}, {pipeline_mode = #tpu.pipeline_mode<synchronous>, transform_indices = @transform_2, window_bounds = array<i64: 1, 128>}, {transform_indices = @transform_3, window_bounds = array<i64: 1024, 128>}]} {
    %get3A = arith.constant 0 : index
    %get3A_0 = arith.constant 0 : index
    %get3A_1 = arith.constant 0 : index
    %get3A_2 = vector.load %arg2[%get3A, %get3A_0, %get3A_1] : memref<2x1024x16xf32, #tpu.memory_space<vmem>>, vector<1x1024x16xf32>
    %get3A_3 = vector.shape_cast %get3A_2 : vector<1x1024x16xf32> to vector<1024x16xf32>
    %get3A_4 = arith.constant 1 : index
    %get3A_5 = arith.constant 0 : index
    %get3A_6 = arith.constant 0 : index
    %get3A_7 = vector.load %arg2[%get3A_4, %get3A_5, %get3A_6] : memref<2x1024x16xf32, #tpu.memory_space<vmem>>, vector<1x1024x16xf32>
    %get3A_8 = vector.shape_cast %get3A_7 : vector<1x1024x16xf32> to vector<1024x16xf32>
    %add3A = arith.addf %get3A_3, %get3A_8 : vector<1024x16xf32>
    %slice3A = vector.extract_strided_slice %add3A {offsets = [0, 0], sizes = [1024, 1], strides = [1, 1]} : vector<1024x16xf32> to vector<1024x1xf32>
    %squeeze3A = vector.shape_cast %slice3A : vector<1024x1xf32> to vector<1024xf32>
    %max3A = arith.constant 1.000000e+00 : f32
    %max3A_9 = vector.broadcast %max3A : f32 to vector<1024xf32>
    %max3A_10 = arith.maximumf %squeeze3A, %max3A_9 : vector<1024xf32>
    %rsqrt3A = math.rsqrt %max3A_10 : vector<1024xf32>
    %get3A_11 = arith.constant 0 : index
    %get3A_12 = arith.constant 0 : index
    %get3A_13 = arith.constant 0 : index
    %get3A_14 = vector.load %arg1[%get3A_11, %get3A_12, %get3A_13] : memref<2x1024x128xf32, #tpu.memory_space<vmem>>, vector<1x1024x128xf32>
    %get3A_15 = vector.shape_cast %get3A_14 : vector<1x1024x128xf32> to vector<1024x128xf32>
    %get3A_16 = arith.constant 1 : index
    %get3A_17 = arith.constant 0 : index
    %get3A_18 = arith.constant 0 : index
    %get3A_19 = vector.load %arg1[%get3A_16, %get3A_17, %get3A_18] : memref<2x1024x128xf32, #tpu.memory_space<vmem>>, vector<1x1024x128xf32>
    %get3A_20 = vector.shape_cast %get3A_19 : vector<1x1024x128xf32> to vector<1024x128xf32>
    %add3A_21 = arith.addf %get3A_15, %get3A_20 : vector<1024x128xf32>
    %broadcast_in_dim3A = vector.shape_cast %rsqrt3A : vector<1024xf32> to vector<1024x1xf32>
    %mul3A = vector.broadcast %broadcast_in_dim3A : vector<1024x1xf32> to vector<1024x128xf32>
    %mul3A_22 = arith.mulf %add3A_21, %mul3A : vector<1024x128xf32>
    %get3A_23 = arith.constant 0 : index
    %get3A_24 = arith.constant 0 : index
    %get3A_25 = vector.load %arg3[%get3A_23, %get3A_24] : memref<1x128xf32, #tpu.memory_space<vmem>>, vector<1x128xf32>
    %add3A_26 = vector.broadcast %get3A_25 : vector<1x128xf32> to vector<1024x128xf32>
    %add3A_27 = arith.addf %mul3A_22, %add3A_26 : vector<1024x128xf32>
    %swap3A = arith.constant 0 : index
    %swap3A_28 = arith.constant 0 : index
    %swap3A_29 = vector.load %arg4[%swap3A, %swap3A_28] : memref<1024x128xf32, #tpu.memory_space<vmem>>, vector<1024x128xf32>
    tpu.vector_store %arg4[%swap3A, %swap3A_28], %add3A_27 {strides = array<i32>} : memref<1024x128xf32, #tpu.memory_space<vmem>>, vector<1024x128xf32>,
    return
  }
  func.func @transform_0(%arg0: i32) -> (i32, i32, i32) {
    %c0_i32 = arith.constant 0 : i32
    %c0_i32_0 = arith.constant 0 : i32
    %c0_i32_1 = arith.constant 0 : i32
    return %c0_i32, %arg0, %c0_i32_0 : i32, i32, i32
  }
  func.func @transform_1(%arg0: i32) -> (i32, i32, i32) {
    %c0_i32 = arith.constant 0 : i32
    %c0_i32_0 = arith.constant 0 : i32
    %c0_i32_1 = arith.constant 0 : i32
    return %c0_i32, %arg0, %c0_i32_0 : i32, i32, i32
  }
  func.func @transform_2(%arg0: i32) -> (i32, i32) {
    %c0_i32 = arith.constant 0 : i32
    %c0_i32_0 = arith.constant 0 : i32
    %c0_i32_1 = arith.constant 0 : i32
    return %c0_i32, %c0_i32_0 : i32, i32
  }
  func.func @transform_3(%arg0: i32) -> (i32, i32) {
    %c0_i32 = arith.constant 0 : i32
    %c0_i32_0 = arith.constant 0 : i32
    return %arg0, %c0_i32 : i32, i32
  }
}

module attributes {stable_mosaic.version = 14 : i64} {
  func.func @_tc1_body(%arg0: i32, %arg1: memref<2x1024x16xf32, #tpu.memory_space<vmem>>, %arg2: memref<1024x128xf32, #tpu.memory_space<vmem>>, %arg3: memref<128x128xf32, #tpu.memory_space<vmem>>, %arg4: memref<1024x128xf32, #tpu.memory_space<vmem>>) attributes {dimension_semantics = [#tpu.dimension_semantics<arbitrary>], iteration_bounds = array<i64: 10>, scalar_prefetch = 0 : i64, scratch_operands = 0 : i64, tpu.core_type = #tpu.core_type<tc>, window_params = [{transform_indices = @transform_0, window_bounds = array<i64: 2, 1024, 16>}, {transform_indices = @transform_1, window_bounds = array<i64: 1024, 128>}, {pipeline_mode = #tpu.pipeline_mode<synchronous>, transform_indices = @transform_2, window_bounds = array<i64: 128, 128>}, {transform_indices = @transform_3, window_bounds = array<i64: 1024, 128>}]} {
    %get3A = arith.constant 0 : index
    %get3A_0 = arith.constant 0 : index
    %get3A_1 = arith.constant 0 : index
    %get3A_2 = vector.load %arg1[%get3A, %get3A_0, %get3A_1] : memref<2x1024x16xf32, #tpu.memory_space<vmem>>, vector<1x1024x16xf32>
    %get3A_3 = vector.shape_cast %get3A_2 : vector<1x1024x16xf32> to vector<1024x16xf32>
    %get3A_4 = arith.constant 1 : index
    %get3A_5 = arith.constant 0 : index
    %get3A_6 = arith.constant 0 : index
    %get3A_7 = vector.load %arg1[%get3A_4, %get3A_5, %get3A_6] : memref<2x1024x16xf32, #tpu.memory_space<vmem>>, vector<1x1024x16xf32>
    %get3A_8 = vector.shape_cast %get3A_7 : vector<1x1024x16xf32> to vector<1024x16xf32>
    %add3A = arith.addf %get3A_3, %get3A_8 : vector<1024x16xf32>
    %slice3A = vector.extract_strided_slice %add3A {offsets = [0, 0], sizes = [1024, 1], strides = [1, 1]} : vector<1024x16xf32> to vector<1024x1xf32>
    %squeeze3A = vector.shape_cast %slice3A : vector<1024x1xf32> to vector<1024xf32>
    %max3A = arith.constant 1.000000e+00 : f32
    %max3A_9 = vector.broadcast %max3A : f32 to vector<1024xf32>
    %max3A_10 = arith.maximumf %squeeze3A, %max3A_9 : vector<1024xf32>
    %rsqrt3A = math.rsqrt %max3A_10 : vector<1024xf32>
    %get3A_11 = arith.constant 0 : index
    %get3A_12 = arith.constant 0 : index
    %get3A_13 = vector.load %arg2[%get3A_11, %get3A_12] : memref<1024x128xf32, #tpu.memory_space<vmem>>, vector<1024x128xf32>
    %broadcast_in_dim3A = vector.shape_cast %rsqrt3A : vector<1024xf32> to vector<1024x1xf32>
    %mul3A = vector.broadcast %broadcast_in_dim3A : vector<1024x1xf32> to vector<1024x128xf32>
    %mul3A_14 = arith.mulf %get3A_13, %mul3A : vector<1024x128xf32>
    %get3A_15 = arith.constant 0 : index
    %get3A_16 = arith.constant 0 : index
    %get3A_17 = vector.load %arg3[%get3A_15, %get3A_16] : memref<128x128xf32, #tpu.memory_space<vmem>>, vector<128x128xf32>
    %dot_general3A = arith.constant dense<0.000000e+00> : vector<1024x128xf32>
    %dot_general3A_18 = tpu.matmul %mul3A_14, %get3A_17, %dot_general3A {dimension_numbers = #tpu.dot_dimension_numbers<[1], [0], [0], [1], [0, 0, 1, 1], [], []>, transpose_lhs_hint = false} : vector<1024x128xf32>, vector<128x128xf32>, vector<1024x128xf32> -> vector<1024x128xf32>
    %swap3A = arith.constant 0 : index
    %swap3A_19 = arith.constant 0 : index
    %swap3A_20 = vector.load %arg4[%swap3A, %swap3A_19] : memref<1024x128xf32, #tpu.memory_space<vmem>>, vector<1024x128xf32>
    tpu.vector_store %arg4[%swap3A, %swap3A_19], %dot_general3A_18 {strides = array<i32>} : memref<1024x128xf32, #tpu.memory_space<vmem>>, vector<1024x128xf32>,
    return
  }
  func.func @transform_0(%arg0: i32) -> (i32, i32, i32) {
    %c0_i32 = arith.constant 0 : i32
    %c0_i32_0 = arith.constant 0 : i32
    %c0_i32_1 = arith.constant 0 : i32
    return %c0_i32, %arg0, %c0_i32_0 : i32, i32, i32
  }
  func.func @transform_1(%arg0: i32) -> (i32, i32) {
    %c0_i32 = arith.constant 0 : i32
    %c0_i32_0 = arith.constant 0 : i32
    return %arg0, %c0_i32 : i32, i32
  }
  func.func @transform_2(%arg0: i32) -> (i32, i32) {
    %c0_i32 = arith.constant 0 : i32
    %c0_i32_0 = arith.constant 0 : i32
    %c0_i32_1 = arith.constant 0 : i32
    return %c0_i32, %c0_i32_0 : i32, i32
  }
  func.func @transform_3(%arg0: i32) -> (i32, i32) {
    %c0_i32 = arith.constant 0 : i32
    %c0_i32_0 = arith.constant 0 : i32
    return %arg0, %c0_i32 : i32, i32
  }
}

</mosaic_0001>

<sc_bundles>
// kernel: kernel.11.cloned.1.call-start
scs
__scs_entry_jumppad:
0x0: {  	(pc) =	sbr.rel $0x88, $3  }
0x1: {  	(tag) =	ssettag $0x0;
	lr =	simm.s32 $0x1  }
0x2: {  	[smem:$0x3F9B] =	sst lr;
	_ =	strace $0xD0000000  }
0x3: {  	_ = 	snop  }
0x4: {  	_ = 	snop  }
0x5: {  	_ = 	snop  }
0x6: {  	_ = 	snop  }
0x7: {  	_ = 	snop  }
__scs_overlays_trampoline_lowered:
0x8: {  	[smem:$0x3FAA] =	sst s0  }
0x9: {  	[smem:$0x3FAB] =	sst s1  }
0xa: {  	[smem:$0x3FAC] =	sst s2  }
0xb: {  	[smem:$0x3FAD] =	sst s3  }
0xc: {  	[smem:$0x3FAE] =	sst s4  }
0xd: {  	[smem:$0x3FAF] =	sst s5  }
0xe: {  	[smem:$0x3FB0] =	sst s6  }
0xf: {  	[smem:$0x3FB1] =	sst s7  }
0x10: {  	[smem:$0x3FB2] =	sst s8  }
0x11: {  	[smem:$0x3FB3] =	sst s9;
	s0 =	simm.s32 @!p0 $0x0  }
0x12: {  	s1 =	sld [smem:$0x3F99];
	s0 =	simm.s32 @p0 $0x1  }
0x13: {  	[smem:$0x3FB4] =	sst s0;
	s0 =	simm.s32 @!p1 $0x0  }
0x14: {  	s2 =	sld [smem:$0x3F98];
	s0 =	simm.s32 @p1 $0x1  }
0x15: {  	[smem:$0x3FB5] =	sst s0;
	s0 =	simm.s32 @!p2 $0x0  }
0x16: {  	s3 =	sld [smem:$0x3FDB];
	s0 =	simm.s32 @p2 $0x1  }
0x17: {  	s4 =	simm.s32 $0x1BF5;
	[smem:$0x3FB7] =	sst s0  }
0x18: {  	s0 =	sld [smem:$0x3F9A];
	_ =	swait.ge [sflag:s4], $0x0  }
0x19: {  	s7 =	sld [smem:$0x3F9B]  }
0x1a: {  	s8 =	sadd.s32 $0xFFFFE003, lr  }
0x1b: {  	s9 =	sadd.s32 $0xFFFFFEF7, lr;
	s5 =	simm.s32 $0xFFFFFFFF;
	p2 =	slt.u32 s8, $0xFFFFF086  }
0x1c: {  	p1 =	slt.u32 s9, $0xF7A;
	s5 =	simm.s32 @!p2 $0x0  }
0x1d: {  	s5 =	simm.s32 @p1 $0x1;
	p0 =	seq.s32 s7, s2  }
0x1e: {  	s7 =	smul.u32 @!p0 $0xF7A, s2;
	p2 =	seq.s32 @!p0 s5, $0x0  }
0x1f: {  	s9 =	smul.u32 $0xF7A, s1;
	s8 =	simm.s32 @!p0 $0x1BF5;
	p2 =	por !p2, p0  }
0x20: {  	[sflag:s8] =	ssyncset.s32 @!p0 $0xFFFFF086;
	s6 =	sadd.s32 @!p0 s3, s7;
	s7 =	simm.s32 @!p0 $0x108  }
0x21: {  	s3 =	sadd.s32 s3, s9;
	s6 =	sadd.s32 @!p0 $0x88, s6;
	s7 =	simm.s32 @p2 $0x1082  }
0x22: {  	[simem:s7], [sflag:s8] =	dma.local @!p0 [hbm:s6], $0xF7A  }
0x23: {  	s9 =	sor.u32 $0xD0000000, s2;
	s6 =	simm.s32 $0x108;
	_ =	swait.ge @!p0 [sflag:s8], $0x0  }
0x24: {  	s3 =	sadd.s32 $0x88, s3;
	s6 =	simm.s32 @!p1 $0x1082;
	[sflag:s4] =	ssyncset.s32 $0xFFFFF086  }
0x25: {  	[simem:s6], [sflag:s4] =	dma.local [hbm:s3], $0xF7A  }
0x26: {  	[smem:$0x3F9B] =	sst s1;
	(tag) =	ssettag s2;
	_ =	strace s9  }
0x27: {  	s1 =	sld [smem:$0x3FAB]  }
0x28: {  	s2 =	sld [smem:$0x3FAC]  }
0x29: {  	s4 =	sld [smem:$0x3FAE]  }
0x2a: {  	p0 =	seq.s32 s5, $0x0;
	s5 =	sld [smem:$0x3FAF]  }
0x2b: {  	s6 =	sld [smem:$0x3FB0]  }
0x2c: {  	s7 =	sld [smem:$0x3FB1]  }
0x2d: {  	s3 =	simm.s32 $0x108;
	s8 =	sld [smem:$0x3FB2]  }
0x2e: {  	s3 =	simm.s32 @!p0 $0x1082;
	s9 =	sld [smem:$0x3FB3]  }
0x2f: {  	lr =	sadd.s32 s0, s3;
	s0 =	sld [smem:$0x3FAA]  }
0x30: {  	s3 =	sld [smem:$0x3FAD]  }
0x31: {  	[smem:$0x3FB6] =	sst s10  }
0x32: {  	s10 =	sld [smem:$0x3FB4];
	_ =	sdelay $0x3  }
0x33: {  	p0 =	seq.s32 s10, $0x1;
	s10 =	sld [smem:$0x3FB6];
	_ =	sdelay $0x3  }
0x34: {  	[smem:$0x3FB6] =	sst s10  }
0x35: {  	s10 =	sld [smem:$0x3FB5];
	_ =	sdelay $0x3  }
0x36: {  	p1 =	seq.s32 s10, $0x1;
	s10 =	sld [smem:$0x3FB6];
	_ =	sdelay $0x3  }
0x37: {  	[smem:$0x3FB6] =	sst s10  }
0x38: {  	s10 =	sld [smem:$0x3FB7]  }
0x39: {  	_ = 	snop;
	(pc) =	sbr.ind lr, $3  }
0x3a: {  	_ = 	snop  }
0x3b: {  	_ = 	snop  }
0x3c: {  	p2 =	seq.s32 s10, $0x1;
	s10 =	sld [smem:$0x3FB6]  }
0x3d: {  	_ =	shalt  }
0x3e: {  	_ =	shalt  }
0x3f: {  	_ =	shalt  }
0x40: {  	_ =	shalt  }
0x41: {  	_ =	shalt  }
0x42: {  	_ =	shalt  }
0x43: {  	_ =	shalt  }
0x44: {  	_ =	shalt  }
0x45: {  	_ =	shalt  }
0x46: {  	_ =	shalt  }
0x47: {  	_ =	shalt  }
0x48: {  	_ =	shalt  }
0x49: {  	_ =	shalt  }
0x4a: {  	_ =	shalt  }
0x4b: {  	_ =	shalt  }
0x4c: {  	_ =	shalt  }
0x4d: {  	_ =	shalt  }
0x4e: {  	_ =	shalt  }
0x4f: {  	_ =	shalt  }
0x50: {  	_ =	shalt  }
0x51: {  	_ =	shalt  }
0x52: {  	_ =	shalt  }
0x53: {  	_ =	shalt  }
0x54: {  	_ =	shalt  }
0x55: {  	_ =	shalt  }
0x56: {  	_ =	shalt  }
0x57: {  	_ =	shalt  }
0x58: {  	_ =	shalt  }
0x59: {  	_ =	shalt  }
0x5a: {  	_ =	shalt  }
0x5b: {  	_ =	shalt  }
0x5c: {  	_ =	shalt  }
0x5d: {  	_ =	shalt  }
0x5e: {  	_ =	shalt  }
0x5f: {  	_ =	shalt  }
0x60: {  	_ =	shalt  }
0x61: {  	_ =	shalt  }
0x62: {  	_ =	shalt  }
0x63: {  	_ =	shalt  }
0x64: {  	_ =	shalt  }
0x65: {  	_ =	shalt  }
0x66: {  	_ =	shalt  }
0x67: {  	_ =	shalt  }
0x68: {  	_ =	shalt  }
0x69: {  	_ =	shalt  }
0x6a: {  	_ =	shalt  }
0x6b: {  	_ =	shalt  }
0x6c: {  	_ =	shalt  }
0x6d: {  	_ =	shalt  }
0x6e: {  	_ =	shalt  }
0x6f: {  	_ =	shalt  }
0x70: {  	_ =	shalt  }
0x71: {  	_ =	shalt  }
0x72: {  	_ =	shalt  }
0x73: {  	_ =	shalt  }
0x74: {  	_ =	shalt  }
0x75: {  	_ =	shalt  }
0x76: {  	_ =	shalt  }
0x77: {  	_ =	shalt  }
0x78: {  	_ =	shalt  }
0x79: {  	_ =	shalt  }
0x7a: {  	_ =	shalt  }
0x7b: {  	_ =	shalt  }
0x7c: {  	_ =	shalt  }
0x7d: {  	_ =	shalt  }
0x7e: {  	_ =	shalt  }
0x7f: {  	_ =	shalt  }
0x80: {  	_ =	shalt  }
0x81: {  	_ =	shalt  }
0x82: {  	_ =	shalt  }
0x83: {  	_ =	shalt  }
0x84: {  	_ =	shalt  }
0x85: {  	_ =	shalt  }
0x86: {  	_ =	shalt  }
0x87: {  	_ =	shalt  }
.Lfunc_end0:
.L_simem_size_0:
called_computation.1_lowered:
.L_overlay_start_0:
0x88: {  	s2 =	sld [smem:$0x3FD9]  }
0x89: {  	s3 =	sld [smem:$0x3FFE];
	_ =	sdelay $0x1  }
0x8a: {  	s1 =	srdreg.scid  }
0x8b: {  	s0 =	sand.u32 $0x1, s1  }
0x8c: {  	s17 =	sshll.u32 s0, $0xA;
	s2 =	sadd.s32 s3, s2  }
0x8d: {  	s2 =	sadd.s32 s2, s17  }
0x8e: {  	[smem:$0x3FC2] =	sst s2  }
0x8f: {  	_ = 	snop  }
0x90: {  	s2 =	sld [smem:$0x3FD0];
	(tm) =	ssettm $0x1  }
0x91: {  	s18 =	sld [smem:$0x3FFB];
	_ =	sdelay $0x3  }
0x92: {  	_ =	strace s18  }
0x93: {  	s3 =	sld [smem:$0x3FFC];
	_ =	sdelay $0x3  }
0x94: {  	_ =	strace s3  }
0x95: {  	s3 =	sld [smem:$0x3FFD];
	_ =	sdelay $0x3  }
0x96: {  	_ =	strace s3  }
0x97: {  	_ =	strace $0x8FFFFFFF  }
0x98: {  	s19 =	sld [smem:$0x3FDB];
	_ =	sdelay $0x1  }
0x99: {  	s4 =	simm.s32 $_scs_section_size  }
0x9a: {  	s5 =	simm.s32 $_size__tile_overlayer_lowered;
	s6 =	simm.s32 $_tile_overlayer_lowered  }
0x9b: {  	s22 =	simm.s32 $0x1BFF;
	s21 =	sshll.u32 s6, $0x1;
	s3 =	sadd.s32 s4, s19  }
0x9c: {  	s7 =	simm.s32 $0x0;
	s20 =	sshll.u32 s5, $0x1;
	s5 =	sadd.s32 s21, s3  }
0x9d: {  	[timem:s7], [sflag:s22] =	dma.local [hbm:s5], s20  }
0x9e: {  	_ =	swait.ge [sflag:s22], s20  }
0x9f: {  	s4 =	ssub.s32 $0x0, s20;
	[sflag:s22] =	ssyncset.done $0x0  }
0xa0: {  	[sflag:s22] =	ssyncadd.s32 s4;
	_ =	sdelay $0x1  }
0xa1: {  	s23 =	simm.s32 $0x1B8B  }
0xa2: {  	_ =	swait.ge [sflag:s23], $0x1  }
0xa3: {  	[sflag:s23] =	ssyncset.done $0x0  }
0xa4: {  	s25 =	simm.s32 $0x1B8E;
	s24 =	sld [smem:$0x3FFE];
	[sflag:s23] =	ssyncadd.s32 $0xFFFFFFFF  }
0xa5: {  	s26 =	simm.s32 $execute0_lowered;
	[smem:$0x3FD2] =	sst s25  }
0xa6: {  	s5 =	sshll.u32 s26, $0x1;
	_ =	strace $0x80000049;
	[dreg:$0x1] =	wrdreg $0xFFFFFFFF  }
0xa7: {  	s28 =	simm.s32 $_size_execute0_lowered;
	s3 =	sadd.s32 s3, s5;
	[dreg:$0x0] =	wrdreg $0x0  }
0xa8: {  	s5 =	sshll.u32 s28, $0x1;
	[dreg:$0x2] =	wrdreg s3  }
0xa9: {  	[dreg:$0x3] =	wrdreg s5  }
0xaa: {  	[dreg:$0x4] =	wrdreg $0xC0  }
0xab: {  	_ =	task [dreg:s7], $0x5FFFF  }
0xac: {  	[dreg:$0x1] =	wrdreg $0xFFFFFFFF  }
0xad: {  	[dreg:$0x0] =	wrdreg $0x60  }
0xae: {  	[dreg:$0x2] =	wrdreg s24  }
0xaf: {  	[dreg:$0x3] =	wrdreg s2  }
0xb0: {  	[dreg:$0x4] =	wrdreg $0x51800  }
0xb1: {  	[dreg:$0x5] =	wrdreg $0x9  }
0xb2: {  	_ =	task.clear_ibuf [dreg:s7], $0x6FFFF;
	_ =	strace $0x90000049  }
0xb3: {  	s29 =	simm.s32 $0x9;
	_ =	strace $0x8000004B  }
0xb4: {  	_ =	swait.ge [sflag:s29], $0x1  }
0xb5: {  	[sflag:s29] =	ssyncadd.s32 $0xFFFFFFFF  }
0xb6: {  	_ =	strace $0x9000004B  }
0xb7: {  	_ =	sfence  }
0xb8: {  	s30 =	sld [smem:$0x0];
	_ =	sdelay $0x2  }
0xb9: {  	s31 =	sshll.u32 s1, $0xD;
	s1 =	sshrl.u32 s1, $0x2  }
0xba: {  	s3 =	sand.u32 $0x4000, s31;
	s1 =	sadd.s32 s1, s30  }
0xbb: {  	s0 =	sor.u32 s3, s0;
	s1 =	sshll.u32 s1, $0x11  }
0xbc: {  	s0 =	sor.u32 s1, s0  }
0xbd: {  	s0 =	sadd.s32 $0x8F2B, s0  }
0xbe: {  	[sflag:s0] =	ssyncadd.remote.s32 $0x1  }
0xbf: {  	_ =	sfence.sel $0xFFFF  }
0xc0: {  	[dreg:$0x0] =	wrdreg $0xFFFFFFFF;
	(pc) =	sbr.abs _section_cstart, $3  }
0xc1: {  	[dreg:$0x1] =	wrdreg $0xFFFFFFFF  }
0xc2: {  	_ =	task.clear_ibuf [dreg:s7], $0x2FFFF;
	_ =	strace $0x9FFFFFFF  }
0xc3: {  	(tm) =	ssettm $0x7FFFFFFF  }
tec
execute0_lowered:
.L_overlay_start_1:
0x0: {  	(tag) =	ssettag $0x1  }
0x1: {  	s5 =	rddreg [dreg:$0x0]  }
0x2: {  	s7 =	rddreg [dreg:$0x1]  }
0x3: {  	s0 =	srdreg.scid;
	s2 =	rddreg [dreg:$0x2]  }
0x4: {  	s1 =	rddreg [dreg:$0x3];
	s3 =	simm.s32 $0x0;
	s6 =	sand.u32 $0x1, s0  }
0x5: {  	s12 =	simm.s32 $0x2980;
	s0 =	stileid.u32;
	s8 =	smul.u32 $0x27100, s6  }
0x6: {  	s13 =	simm.s32 $0x2;
	s14 =	simm.s32 $0x80;
	s9 =	smul.u32 $0x2710, s0  }
0x7: {  	s15 =	simm.s32 $0x180;
	s16 =	simm.s32 $0x1;
	s10 =	smul.u32 $0x140000, s6  }
0x8: {  	s17 =	simm.s32 $0x0;
	[smem:$0x7FF] =	sst s3;
	s11 =	smul.u32 $0x14000, s0  }
0x9: {  	s4 =	sadd.s32 $0xACC00, s5;
	_ =	strace $0x8000004A;
	s6 =	ssub.s32 $0x2, s6  }
0xa: {  	s31 =	sshrl.u32 s6, $0x1;
	s8 =	sadd.s32 s9, s8;
	s29 =	sadd.s32 s11, s10  }
0xb: {  	s6 =	ssub.s32 s6, s31;
	s10 =	simm.s32 $0x50;
	s11 =	simm.s32 $0x100  }
0xc: {  	s8 =	sshrl.u32 s8, $0x3;
	s9 =	sshrl.u32 s29, $0x3;
	s6 =	smax.u32 s6, $0x1  }
0xd: {  	s30 =	sadd.s32 s8, s5;
	s9 =	sadd.s32 s9, s5;
	s5 =	smul.u32 $0x280, s0  }
0xe: {  	v0 =	vimm.f32 $0.0e+00;
	v1 =	vlaneseq.u32;
	s7 =	sadd.s32 s8, s7;
	s8 =	sadd.s32 $0x2E00, s30;
	s9 =	sadd.s32 $0xD4C00, s9  }
.LBB2_1:
0xf: {  	s18 =	simm.s32 $0x70;
	s19 =	simm.s32 $0x3C0  }
.LBB2_2:
0x10: {  	p0 =	sne.s32 s19, $0x9FC0;
	[tilespmem:s18+$0x2980] =	vst v0  }
0x11: {  	[tilespmem:s18+$0x2910] =	vst v0  }
0x12: {  	[tilespmem:s18+$0x2920] =	vst v0  }
.Ltmp0:
0x13: {  	[tilespmem:s18+$0x2930] =	vst v0;
	(pc) =	sbr.rel @p0 .LBB2_2-.Ltmp0, $4  }
0x14: {  	[tilespmem:s18+$0x2940] =	vst v0  }
0x15: {  	[tilespmem:s18+$0x2950] =	vst v0  }
0x16: {  	[tilespmem:s18+$0x2960] =	vst v0  }
0x17: {  	[tilespmem:s18+$0x2970] =	vst v0;
	s18 =	sshra.s32 s19, $0x2;
	s19 =	sadd.s32 $0x200, s19  }
0x18: {  	[tilespmem:s18+$0x2980] =	vst v0  }
0x19: {  	[tilespmem:s18+$0x2910] =	vst v0  }
0x1a: {  	[tilespmem:s18+$0x2920] =	vst v0  }
0x1b: {  	[tilespmem:s18+$0x2930] =	vst v0  }
0x1c: {  	[tilespmem:s18+$0x2940] =	vst v0  }
0x1d: {  	[tilespmem:s18+$0x2950] =	vst v0  }
0x1e: {  	[tilespmem:s18+$0x2960] =	vst v0;
	s19 =	sadd.s32 $0x0, s5  }
0x1f: {  	[tilespmem:s18+$0x2970] =	vst v0;
	v2 =	vor.u32 s19, v1;
	s30 =	sadd.s32 $0x40, s19  }
0x20: {  	s20 =	sadd.s32 $0x30, s19;
	[tilespmem:$0x100] =	vst v2;
	v2 =	vor.u32 s30, v1  }
0x21: {  	s31 =	sadd.s32 $0x20, s19;
	v3 =	vor.u32 s20, v1;
	[tilespmem:$0x140] =	vst v2  }
0x22: {  	s18 =	simm.s32 $0x50;
	s19 =	sadd.s32 $0x10, s19;
	v2 =	vor.u32 s31, v1;
	[tilespmem:$0x130] =	vst v3  }
.LBB2_4:
0x23: {  	p0 =	sne.s32 s18, $0x230;
	v3 =	vor.u32 s19, v1;
	[tilespmem:$0x120] =	vst v2  }
0x24: {  	[tilespmem:$0x110] =	vst v3;
	[spmem:s2] =	stream.indirect.scatter [tilespmem:s12], [sflag:$0x2], $0x80, s11, s10, $0xb8  }
0x25: {  	_ =	swait.ge [sflag:s13], $0x2800  }
.Ltmp1:
0x26: {  	s19 =	sadd.s32 s18, s5;
	[sflag:s13] =	ssyncset.done $0x0;
	(pc) =	sbr.rel @p0 .LBB2_4-.Ltmp1, $4  }
0x27: {  	v2 =	vor.u32 s19, v1;
	s20 =	sadd.s32 $0x40, s19;
	[sflag:s13] =	ssyncadd.s32 $0xFFFFD800  }
0x28: {  	s21 =	sadd.s32 $0x30, s19;
	[tilespmem:$0x100] =	vst v2;
	v2 =	vor.u32 s20, v1  }
0x29: {  	v3 =	vor.u32 s21, v1;
	s20 =	sadd.s32 $0x20, s19;
	[tilespmem:$0x140] =	vst v2  }
0x2a: {  	s18 =	sadd.s32 $0x50, s18;
	s19 =	sadd.s32 $0x10, s19;
	v2 =	vor.u32 s20, v1;
	[tilespmem:$0x130] =	vst v3  }
0x2b: {  	v3 =	vor.u32 s19, v1;
	[tilespmem:$0x120] =	vst v2  }
0x2c: {  	[tilespmem:$0x110] =	vst v3  }
0x2d: {  	[spmem:s2] =	stream.indirect.scatter [tilespmem:s12], [sflag:$0x2], $0x80, s11, s10, $0xb8;
	[tilespmem:$0x19180] =	vst v63  }
0x2e: {  	_ =	swait.ge [sflag:s13], $0x2800  }
0x2f: {  	[sflag:s13] =	ssyncset.done $0x0  }
0x30: {  	[sflag:s13] =	ssyncadd.s32 $0xFFFFD800  }
0x31: {  	s18 =	sadd.s32 $0x0, s8;
	[bflag:$0x0] =	sbarrier.arrive $0xFFFF  }
0x32: {  	[tilespmem:s3], [sflag:$0x2] =	stream.linear.gather [hbm4b:s18+s3], $0x50, $0x38;
	[tilespmem:$0x19180] =	vst v63  }
0x33: {  	_ =	swait.ge [sflag:s13], $0x50  }
0x34: {  	[sflag:s13] =	ssyncset.done $0x0  }
0x35: {  	s31 =	sadd.s32 $0x0, s7;
	[sflag:s13] =	ssyncadd.s32 $0xFFFFFFB0  }
0x36: {  	[tilespmem:s14], [sflag:$0x2] =	stream.linear.gather [hbm4b:s31+s3], $0x50, $0x38;
	[tilespmem:$0x19180] =	vst v63  }
0x37: {  	_ =	swait.ge [sflag:s13], $0x50  }
0x38: {  	[sflag:s13] =	ssyncset.done $0x0  }
0x39: {  	[sflag:s13] =	ssyncadd.s32 $0xFFFFFFB0  }
0x3a: {  	[tilespmem:s15], [sflag:$0x1] =	stream.indirect.gather [hbm4b:s4+s10], $0x80, s3, s10, $0xb8;
	[tilespmem:$0x19180] =	vst v63  }
0x3b: {  	_ =	swait.ge [sflag:s16], $0x2800  }
0x3c: {  	[sflag:s16] =	ssyncset.done $0x0  }
0x3d: {  	[sflag:s16] =	ssyncadd.s32 $0xFFFFD800  }
0x3e: {  	[spmem:s2] =	stream.indirect.scatter.add.f32 [tilespmem:s15], [sflag:$0x2], $0x80, s14, s10, $0xb8;
	[tilespmem:$0x19180] =	vst v63  }
0x3f: {  	_ =	swait.ge [sflag:s13], $0x2800  }
0x40: {  	s19 =	simm.s32 $0x14;
	s18 =	simm.s32 $0xA;
	[sflag:s13] =	ssyncset.done $0x0  }
.LBB2_6:
0x41: {  	s20 =	sadd.s32 s18, s8  }
0x42: {  	[sflag:s13] =	ssyncadd.s32 $0xFFFFD800;
	s21 =	smov.u32 s19;
	s22 =	sadd.s32 $0xA, s19  }
0x43: {  	[tilespmem:s3], [sflag:$0x2] =	stream.linear.gather [hbm4b:s20+s3], $0x50, $0x38;
	[tilespmem:$0x19180] =	vst v63  }
0x44: {  	p0 =	sne.s32 s19, $0x4D8;
	_ =	swait.ge [sflag:s13], $0x50  }
0x45: {  	[sflag:s13] =	ssyncset.done $0x0  }
0x46: {  	s19 =	sadd.s32 s18, s7;
	s18 =	smov.u32 s21;
	[sflag:s13] =	ssyncadd.s32 $0xFFFFFFB0  }
0x47: {  	[tilespmem:s14], [sflag:$0x2] =	stream.linear.gather [hbm4b:s19+s3], $0x50, $0x38;
	[tilespmem:$0x19180] =	vst v63  }
0x48: {  	_ =	swait.ge [sflag:s13], $0x50  }
0x49: {  	[sflag:s13] =	ssyncset.done $0x0  }
0x4a: {  	[sflag:s13] =	ssyncadd.s32 $0xFFFFFFB0  }
0x4b: {  	[tilespmem:s15], [sflag:$0x1] =	stream.indirect.gather [hbm4b:s4+s10], $0x80, s3, s10, $0xb8;
	[tilespmem:$0x19180] =	vst v63  }
0x4c: {  	_ =	swait.ge [sflag:s16], $0x2800  }
.Ltmp2:
0x4d: {  	[sflag:s16] =	ssyncset.done $0x0;
	(pc) =	sbr.rel @p0 .LBB2_6-.Ltmp2, $4  }
0x4e: {  	[sflag:s16] =	ssyncadd.s32 $0xFFFFD800  }
0x4f: {  	[spmem:s2] =	stream.indirect.scatter.add.f32 [tilespmem:s15], [sflag:$0x2], $0x80, s14, s10, $0xb8;
	[tilespmem:$0x19180] =	vst v63  }
0x50: {  	_ =	swait.ge [sflag:s13], $0x2800  }
0x51: {  	s19 =	smov.u32 s22;
	[sflag:s13] =	ssyncset.done $0x0  }
0x52: {  	s19 =	sadd.s32 s18, s8;
	[sflag:s13] =	ssyncadd.s32 $0xFFFFD800  }
0x53: {  	[tilespmem:s3], [sflag:$0x2] =	stream.linear.gather [hbm4b:s19+s3], $0x50, $0x38;
	[tilespmem:$0x19180] =	vst v63  }
0x54: {  	_ =	swait.ge [sflag:s13], $0x50  }
0x55: {  	[sflag:s13] =	ssyncset.done $0x0  }
0x56: {  	s28 =	sadd.s32 s18, s7;
	[sflag:s13] =	ssyncadd.s32 $0xFFFFFFB0  }
0x57: {  	[tilespmem:s14], [sflag:$0x2] =	stream.linear.gather [hbm4b:s28+s3], $0x50, $0x38;
	[tilespmem:$0x19180] =	vst v63  }
0x58: {  	_ =	swait.ge [sflag:s13], $0x50  }
0x59: {  	[sflag:s13] =	ssyncset.done $0x0  }
0x5a: {  	[sflag:s13] =	ssyncadd.s32 $0xFFFFFFB0  }
0x5b: {  	[tilespmem:s15], [sflag:$0x1] =	stream.indirect.gather [hbm4b:s4+s10], $0x80, s3, s10, $0xb8;
	[tilespmem:$0x19180] =	vst v63  }
0x5c: {  	_ =	swait.ge [sflag:s16], $0x2800  }
0x5d: {  	[sflag:s16] =	ssyncset.done $0x0  }
0x5e: {  	[sflag:s16] =	ssyncadd.s32 $0xFFFFD800  }
0x5f: {  	[spmem:s2] =	stream.indirect.scatter.add.f32 [tilespmem:s15], [sflag:$0x2], $0x80, s14, s10, $0xb8;
	[tilespmem:$0x19180] =	vst v63  }
0x60: {  	_ =	swait.ge [sflag:s13], $0x2800  }
0x61: {  	[sflag:s13] =	ssyncset.done $0x0  }
0x62: {  	s29 =	sadd.s32 $0x0, s5;
	[sflag:s13] =	ssyncadd.s32 $0xFFFFD800  }
0x63: {  	v2 =	vor.u32 s29, v1;
	s20 =	sadd.s32 $0x40, s29;
	[bflag:$0x0] =	sbarrier.arrive $0xFFFF  }
0x64: {  	s30 =	sadd.s32 $0x10, s29;
	v3 =	vor.u32 s20, v1;
	[tilespmem:$0x100] =	vst v2  }
0x65: {  	s31 =	sadd.s32 $0x30, s29;
	v2 =	vor.u32 s30, v1;
	[tilespmem:$0x140] =	vst v3  }
0x66: {  	s18 =	sadd.s32 $0x20, s29;
	[tilespmem:$0x110] =	vst v2;
	v2 =	vor.u32 s31, v1  }
0x67: {  	[tilespmem:$0x130] =	vst v2;
	v2 =	vor.u32 s18, v1  }
0x68: {  	[tilespmem:$0x120] =	vst v2  }
0x69: {  	[tilespmem:s15], [sflag:$0x2] =	stream.indirect.gather [spmem:s2], $0x80, s11, s10, $0xb8;
	[tilespmem:$0x19180] =	vst v63  }
0x6a: {  	_ =	swait.ge [sflag:s13], $0x2800  }
0x6b: {  	s19 =	sadd.s32 $0x500, s9;
	[sflag:s13] =	ssyncset.done $0x0  }
0x6c: {  	s20 =	smov.u32 s9;
	s18 =	simm.s32 $0x50;
	[sflag:s13] =	ssyncadd.s32 $0xFFFFD800  }
.LBB2_8:
0x6d: {  	[hbm4b:s20+s3] =	stream.linear.scatter [tilespmem:s15], [sflag:$0x2], $0x2800, $0x38;
	[tilespmem:$0x19180] =	vst v63  }
0x6e: {  	s21 =	smov.u32 s18;
	s20 =	smov.u32 s19  }
0x6f: {  	p0 =	sne.s32 s18, $0x230;
	s18 =	sadd.s32 $0x50, s18;
	_ =	swait.ge [sflag:s13], $0x2800  }
0x70: {  	s21 =	sadd.s32 s21, s5;
	[sflag:s13] =	ssyncset.done $0x0  }
0x71: {  	v2 =	vor.u32 s21, v1;
	s22 =	sadd.s32 $0x10, s21;
	s23 =	sadd.s32 $0x20, s21;
	[sflag:s13] =	ssyncadd.s32 $0xFFFFD800  }
0x72: {  	v3 =	vor.u32 s23, v1;
	[tilespmem:$0x100] =	vst v2;
	v2 =	vor.u32 s22, v1;
	s22 =	sadd.s32 $0x30, s21;
	s21 =	sadd.s32 $0x40, s21  }
0x73: {  	[tilespmem:$0x110] =	vst v2;
	v2 =	vor.u32 s22, v1;
	v4 =	vor.u32 s21, v1  }
0x74: {  	[tilespmem:$0x130] =	vst v2  }
0x75: {  	[tilespmem:$0x140] =	vst v4  }
.Ltmp3:
0x76: {  	[tilespmem:$0x120] =	vst v3;
	(pc) =	sbr.rel @p0 .LBB2_8-.Ltmp3, $4  }
0x77: {  	[tilespmem:s15], [sflag:$0x2] =	stream.indirect.gather [spmem:s2], $0x80, s11, s10, $0xb8;
	[tilespmem:$0x19180] =	vst v63  }
0x78: {  	_ =	swait.ge [sflag:s13], $0x2800  }
0x79: {  	[sflag:s13] =	ssyncset.done $0x0  }
0x7a: {  	s19 =	sadd.s32 $0x500, s19;
	[sflag:s13] =	ssyncadd.s32 $0xFFFFD800  }
0x7b: {  	s17 =	sadd.s32 $0x1, s17  }
0x7c: {  	p0 =	sne.s32 s17, s6  }
.Ltmp4:
0x7d: {  	_ = 	snop;
	(pc) =	sbr.rel @p0 .LBB2_1-.Ltmp4, $4  }
0x7e: {  	[hbm4b:s20+s3] =	stream.linear.scatter [tilespmem:s15], [sflag:$0x2], $0x2800, $0x38;
	[tilespmem:$0x19180] =	vst v63  }
0x7f: {  	_ =	swait.ge [sflag:s13], $0x2800  }
0x80: {  	[sflag:s13] =	ssyncset.done $0x0  }
0x81: {  	[sflag:s13] =	ssyncadd.s32 $0xFFFFD800  }
0x82: {  	_ =	sfence.sel $0x180000  }
0x83: {  	[bflag:$0x0] =	sbarrier.arrive $0xFFFF  }
0x84: {  	p0 =	sne.s32 s0, $0x0;
	_ =	strace $0x9000004A  }
0x85: {  	s0 =	sadd.s32 @!p0 $0x100000, s1;
	[bflag:$0x2] =	sbarrier.arrive $0xFFFF  }
0x86: {  	[sflag:s0] =	ssyncadd.tile.s32 @!p0 $0x1;
	_ =	shalt  }
.Lfunc_end2:
_tile_overlayer_lowered:
.L_overlay_start_2:
0x87: {  	(tag) =	ssettag $0x2  }
0x88: {  	s0 =	rddreg [dreg:$0x0];
	s2 =	stileid.u32  }
0x89: {  	s1 =	rddreg [dreg:$0x1];
	p0 =	sne.s32 s2, $0x0  }
0x8a: {  	s3 =	rddreg [dreg:$0x2];
	[bflag:$0x3] =	sbarrier.arrive $0xFFFF;
	s2 =	simm.s32 @!p0 $0x1C02  }
0x8b: {  	[timem:s3], [sflag:s2] =	dma.local @!p0 [hbm:s0], s1  }
0x8c: {  	s0 =	simm.s32 @!p0 $0x2  }
0x8d: {  	_ =	swait.ge @!p0 [sflag:s0], s1  }
0x8e: {  	s1 =	ssub.s32 @!p0 $0x0, s1;
	[sflag:s0] =	ssyncset.done @!p0 $0x0  }
0x8f: {  	[sflag:s0] =	ssyncadd.s32 @!p0 s1  }
0x90: {  	[bflag:$0x3] =	sbarrier.arrive $0xFFFF  }
0x91: {  	_ =	shalt  }

// kernel: kernel.14.cloned.1.call-start
scs
__scs_entry_jumppad:
0x0: {  	(pc) =	sbr.rel $0x88, $3  }
0x1: {  	(tag) =	ssettag $0x0;
	lr =	simm.s32 $0x1  }
0x2: {  	[smem:$0x3F9B] =	sst lr;
	_ =	strace $0xD0000000  }
0x3: {  	_ = 	snop  }
0x4: {  	_ = 	snop  }
0x5: {  	_ = 	snop  }
0x6: {  	_ = 	snop  }
0x7: {  	_ = 	snop  }
__scs_overlays_trampoline_lowered:
0x8: {  	[smem:$0x3FAA] =	sst s0  }
0x9: {  	[smem:$0x3FAB] =	sst s1  }
0xa: {  	[smem:$0x3FAC] =	sst s2  }
0xb: {  	[smem:$0x3FAD] =	sst s3  }
0xc: {  	[smem:$0x3FAE] =	sst s4  }
0xd: {  	[smem:$0x3FAF] =	sst s5  }
0xe: {  	[smem:$0x3FB0] =	sst s6  }
0xf: {  	[smem:$0x3FB1] =	sst s7  }
0x10: {  	[smem:$0x3FB2] =	sst s8  }
0x11: {  	[smem:$0x3FB3] =	sst s9;
	s0 =	simm.s32 @!p0 $0x0  }
0x12: {  	s1 =	sld [smem:$0x3F99];
	s0 =	simm.s32 @p0 $0x1  }
0x13: {  	[smem:$0x3FB4] =	sst s0;
	s0 =	simm.s32 @!p1 $0x0  }
0x14: {  	s2 =	sld [smem:$0x3F98];
	s0 =	simm.s32 @p1 $0x1  }
0x15: {  	[smem:$0x3FB5] =	sst s0;
	s0 =	simm.s32 @!p2 $0x0  }
0x16: {  	s3 =	sld [smem:$0x3FDB];
	s0 =	simm.s32 @p2 $0x1  }
0x17: {  	s4 =	simm.s32 $0x1BF5;
	[smem:$0x3FB7] =	sst s0  }
0x18: {  	s0 =	sld [smem:$0x3F9A];
	_ =	swait.ge [sflag:s4], $0x0  }
0x19: {  	s7 =	sld [smem:$0x3F9B]  }
0x1a: {  	s8 =	sadd.s32 $0xFFFFE003, lr  }
0x1b: {  	s9 =	sadd.s32 $0xFFFFFEF7, lr;
	s5 =	simm.s32 $0xFFFFFFFF;
	p2 =	slt.u32 s8, $0xFFFFF086  }
0x1c: {  	p1 =	slt.u32 s9, $0xF7A;
	s5 =	simm.s32 @!p2 $0x0  }
0x1d: {  	s5 =	simm.s32 @p1 $0x1;
	p0 =	seq.s32 s7, s2  }
0x1e: {  	s7 =	smul.u32 @!p0 $0xF7A, s2;
	p2 =	seq.s32 @!p0 s5, $0x0  }
0x1f: {  	s9 =	smul.u32 $0xF7A, s1;
	s8 =	simm.s32 @!p0 $0x1BF5;
	p2 =	por !p2, p0  }
0x20: {  	[sflag:s8] =	ssyncset.s32 @!p0 $0xFFFFF086;
	s6 =	sadd.s32 @!p0 s3, s7;
	s7 =	simm.s32 @!p0 $0x108  }
0x21: {  	s3 =	sadd.s32 s3, s9;
	s6 =	sadd.s32 @!p0 $0x88, s6;
	s7 =	simm.s32 @p2 $0x1082  }
0x22: {  	[simem:s7], [sflag:s8] =	dma.local @!p0 [hbm:s6], $0xF7A  }
0x23: {  	s9 =	sor.u32 $0xD0000000, s2;
	s6 =	simm.s32 $0x108;
	_ =	swait.ge @!p0 [sflag:s8], $0x0  }
0x24: {  	s3 =	sadd.s32 $0x88, s3;
	s6 =	simm.s32 @!p1 $0x1082;
	[sflag:s4] =	ssyncset.s32 $0xFFFFF086  }
0x25: {  	[simem:s6], [sflag:s4] =	dma.local [hbm:s3], $0xF7A  }
0x26: {  	[smem:$0x3F9B] =	sst s1;
	(tag) =	ssettag s2;
	_ =	strace s9  }
0x27: {  	s1 =	sld [smem:$0x3FAB]  }
0x28: {  	s2 =	sld [smem:$0x3FAC]  }
0x29: {  	s4 =	sld [smem:$0x3FAE]  }
0x2a: {  	p0 =	seq.s32 s5, $0x0;
	s5 =	sld [smem:$0x3FAF]  }
0x2b: {  	s6 =	sld [smem:$0x3FB0]  }
0x2c: {  	s7 =	sld [smem:$0x3FB1]  }
0x2d: {  	s3 =	simm.s32 $0x108;
	s8 =	sld [smem:$0x3FB2]  }
0x2e: {  	s3 =	simm.s32 @!p0 $0x1082;
	s9 =	sld [smem:$0x3FB3]  }
0x2f: {  	lr =	sadd.s32 s0, s3;
	s0 =	sld [smem:$0x3FAA]  }
0x30: {  	s3 =	sld [smem:$0x3FAD]  }
0x31: {  	[smem:$0x3FB6] =	sst s10  }
0x32: {  	s10 =	sld [smem:$0x3FB4];
	_ =	sdelay $0x3  }
0x33: {  	p0 =	seq.s32 s10, $0x1;
	s10 =	sld [smem:$0x3FB6];
	_ =	sdelay $0x3  }
0x34: {  	[smem:$0x3FB6] =	sst s10  }
0x35: {  	s10 =	sld [smem:$0x3FB5];
	_ =	sdelay $0x3  }
0x36: {  	p1 =	seq.s32 s10, $0x1;
	s10 =	sld [smem:$0x3FB6];
	_ =	sdelay $0x3  }
0x37: {  	[smem:$0x3FB6] =	sst s10  }
0x38: {  	s10 =	sld [smem:$0x3FB7]  }
0x39: {  	_ = 	snop;
	(pc) =	sbr.ind lr, $3  }
0x3a: {  	_ = 	snop  }
0x3b: {  	_ = 	snop  }
0x3c: {  	p2 =	seq.s32 s10, $0x1;
	s10 =	sld [smem:$0x3FB6]  }
0x3d: {  	_ =	shalt  }
0x3e: {  	_ =	shalt  }
0x3f: {  	_ =	shalt  }
0x40: {  	_ =	shalt  }
0x41: {  	_ =	shalt  }
0x42: {  	_ =	shalt  }
0x43: {  	_ =	shalt  }
0x44: {  	_ =	shalt  }
0x45: {  	_ =	shalt  }
0x46: {  	_ =	shalt  }
0x47: {  	_ =	shalt  }
0x48: {  	_ =	shalt  }
0x49: {  	_ =	shalt  }
0x4a: {  	_ =	shalt  }
0x4b: {  	_ =	shalt  }
0x4c: {  	_ =	shalt  }
0x4d: {  	_ =	shalt  }
0x4e: {  	_ =	shalt  }
0x4f: {  	_ =	shalt  }
0x50: {  	_ =	shalt  }
0x51: {  	_ =	shalt  }
0x52: {  	_ =	shalt  }
0x53: {  	_ =	shalt  }
0x54: {  	_ =	shalt  }
0x55: {  	_ =	shalt  }
0x56: {  	_ =	shalt  }
0x57: {  	_ =	shalt  }
0x58: {  	_ =	shalt  }
0x59: {  	_ =	shalt  }
0x5a: {  	_ =	shalt  }
0x5b: {  	_ =	shalt  }
0x5c: {  	_ =	shalt  }
0x5d: {  	_ =	shalt  }
0x5e: {  	_ =	shalt  }
0x5f: {  	_ =	shalt  }
0x60: {  	_ =	shalt  }
0x61: {  	_ =	shalt  }
0x62: {  	_ =	shalt  }
0x63: {  	_ =	shalt  }
0x64: {  	_ =	shalt  }
0x65: {  	_ =	shalt  }
0x66: {  	_ =	shalt  }
0x67: {  	_ =	shalt  }
0x68: {  	_ =	shalt  }
0x69: {  	_ =	shalt  }
0x6a: {  	_ =	shalt  }
0x6b: {  	_ =	shalt  }
0x6c: {  	_ =	shalt  }
0x6d: {  	_ =	shalt  }
0x6e: {  	_ =	shalt  }
0x6f: {  	_ =	shalt  }
0x70: {  	_ =	shalt  }
0x71: {  	_ =	shalt  }
0x72: {  	_ =	shalt  }
0x73: {  	_ =	shalt  }
0x74: {  	_ =	shalt  }
0x75: {  	_ =	shalt  }
0x76: {  	_ =	shalt  }
0x77: {  	_ =	shalt  }
0x78: {  	_ =	shalt  }
0x79: {  	_ =	shalt  }
0x7a: {  	_ =	shalt  }
0x7b: {  	_ =	shalt  }
0x7c: {  	_ =	shalt  }
0x7d: {  	_ =	shalt  }
0x7e: {  	_ =	shalt  }
0x7f: {  	_ =	shalt  }
0x80: {  	_ =	shalt  }
0x81: {  	_ =	shalt  }
0x82: {  	_ =	shalt  }
0x83: {  	_ =	shalt  }
0x84: {  	_ =	shalt  }
0x85: {  	_ =	shalt  }
0x86: {  	_ =	shalt  }
0x87: {  	_ =	shalt  }
.Lfunc_end0:
.L_simem_size_0:
called_computation.2_lowered:
.L_overlay_start_0:
0x88: {  	s2 =	sld [smem:$0x3FD9]  }
0x89: {  	s3 =	sld [smem:$0x3FFE];
	_ =	sdelay $0x1  }
0x8a: {  	s1 =	srdreg.scid  }
0x8b: {  	s0 =	sand.u32 $0x1, s1  }
0x8c: {  	s17 =	sshll.u32 s0, $0xA;
	s2 =	sadd.s32 s3, s2  }
0x8d: {  	s2 =	sadd.s32 s2, s17  }
0x8e: {  	[smem:$0x3FC2] =	sst s2  }
0x8f: {  	_ = 	snop  }
0x90: {  	s2 =	sld [smem:$0x3FD0];
	(tm) =	ssettm $0x1  }
0x91: {  	s18 =	sld [smem:$0x3FFB];
	_ =	sdelay $0x3  }
0x92: {  	_ =	strace s18  }
0x93: {  	s3 =	sld [smem:$0x3FFC];
	_ =	sdelay $0x3  }
0x94: {  	_ =	strace s3  }
0x95: {  	s3 =	sld [smem:$0x3FFD];
	_ =	sdelay $0x3  }
0x96: {  	_ =	strace s3  }
0x97: {  	_ =	strace $0x8FFFFFFF  }
0x98: {  	s19 =	sld [smem:$0x3FDB];
	_ =	sdelay $0x1  }
0x99: {  	s4 =	simm.s32 $_scs_section_size  }
0x9a: {  	s5 =	simm.s32 $_size__tile_overlayer_lowered;
	s6 =	simm.s32 $_tile_overlayer_lowered  }
0x9b: {  	s22 =	simm.s32 $0x1BFF;
	s21 =	sshll.u32 s6, $0x1;
	s3 =	sadd.s32 s4, s19  }
0x9c: {  	s7 =	simm.s32 $0x0;
	s20 =	sshll.u32 s5, $0x1;
	s5 =	sadd.s32 s21, s3  }
0x9d: {  	[timem:s7], [sflag:s22] =	dma.local [hbm:s5], s20  }
0x9e: {  	_ =	swait.ge [sflag:s22], s20  }
0x9f: {  	s4 =	ssub.s32 $0x0, s20;
	[sflag:s22] =	ssyncset.done $0x0  }
0xa0: {  	[sflag:s22] =	ssyncadd.s32 s4;
	_ =	sdelay $0x1  }
0xa1: {  	s23 =	simm.s32 $0x1B8B  }
0xa2: {  	_ =	swait.ge [sflag:s23], $0x1  }
0xa3: {  	[sflag:s23] =	ssyncset.done $0x0  }
0xa4: {  	s25 =	simm.s32 $0x1B8E;
	s24 =	sld [smem:$0x3FFE];
	[sflag:s23] =	ssyncadd.s32 $0xFFFFFFFF  }
0xa5: {  	s26 =	simm.s32 $execute0_lowered;
	[smem:$0x3FD2] =	sst s25  }
0xa6: {  	s5 =	sshll.u32 s26, $0x1;
	_ =	strace $0x8000004C;
	[dreg:$0x1] =	wrdreg $0xFFFFFFFF  }
0xa7: {  	s28 =	simm.s32 $_size_execute0_lowered;
	s3 =	sadd.s32 s3, s5;
	[dreg:$0x0] =	wrdreg $0x0  }
0xa8: {  	s5 =	sshll.u32 s28, $0x1;
	[dreg:$0x2] =	wrdreg s3  }
0xa9: {  	[dreg:$0x3] =	wrdreg s5  }
0xaa: {  	[dreg:$0x4] =	wrdreg $0xC0  }
0xab: {  	_ =	task [dreg:s7], $0x5FFFF  }
0xac: {  	[dreg:$0x1] =	wrdreg $0xFFFFFFFF  }
0xad: {  	[dreg:$0x0] =	wrdreg $0x60  }
0xae: {  	[dreg:$0x2] =	wrdreg s24  }
0xaf: {  	[dreg:$0x3] =	wrdreg s2  }
0xb0: {  	[dreg:$0x4] =	wrdreg $0x51800  }
0xb1: {  	[dreg:$0x5] =	wrdreg $0x9  }
0xb2: {  	_ =	task.clear_ibuf [dreg:s7], $0x6FFFF;
	_ =	strace $0x9000004C  }
0xb3: {  	s29 =	simm.s32 $0x9;
	_ =	strace $0x8000004E  }
0xb4: {  	_ =	swait.ge [sflag:s29], $0x1  }
0xb5: {  	[sflag:s29] =	ssyncadd.s32 $0xFFFFFFFF  }
0xb6: {  	_ =	strace $0x9000004E  }
0xb7: {  	_ =	sfence  }
0xb8: {  	s30 =	sld [smem:$0x0];
	_ =	sdelay $0x2  }
0xb9: {  	s31 =	sshll.u32 s1, $0xD;
	s1 =	sshrl.u32 s1, $0x2  }
0xba: {  	s3 =	sand.u32 $0x4000, s31;
	s1 =	sadd.s32 s1, s30  }
0xbb: {  	s0 =	sor.u32 s3, s0;
	s1 =	sshll.u32 s1, $0x11  }
0xbc: {  	s0 =	sor.u32 s1, s0  }
0xbd: {  	s0 =	sadd.s32 $0x8F2B, s0  }
0xbe: {  	[sflag:s0] =	ssyncadd.remote.s32 $0x1  }
0xbf: {  	_ =	sfence.sel $0xFFFF  }
0xc0: {  	[dreg:$0x0] =	wrdreg $0xFFFFFFFF;
	(pc) =	sbr.abs _section_cstart, $3  }
0xc1: {  	[dreg:$0x1] =	wrdreg $0xFFFFFFFF  }
0xc2: {  	_ =	task.clear_ibuf [dreg:s7], $0x2FFFF;
	_ =	strace $0x9FFFFFFF  }
0xc3: {  	(tm) =	ssettm $0x7FFFFFFF  }
tec
execute0_lowered:
.L_overlay_start_1:
0x0: {  	(tag) =	ssettag $0x1  }
0x1: {  	s5 =	rddreg [dreg:$0x0]  }
0x2: {  	s7 =	rddreg [dreg:$0x1]  }
0x3: {  	s0 =	srdreg.scid;
	s2 =	rddreg [dreg:$0x2]  }
0x4: {  	s1 =	rddreg [dreg:$0x3];
	s3 =	simm.s32 $0x0;
	s6 =	sand.u32 $0x1, s0  }
0x5: {  	s12 =	simm.s32 $0x2980;
	s0 =	stileid.u32;
	s8 =	smul.u32 $0x27100, s6  }
0x6: {  	s13 =	simm.s32 $0x2;
	s14 =	simm.s32 $0x80;
	s9 =	smul.u32 $0x2710, s0  }
0x7: {  	s15 =	simm.s32 $0x180;
	s16 =	simm.s32 $0x1;
	s10 =	smul.u32 $0x140000, s6  }
0x8: {  	s17 =	simm.s32 $0x0;
	[smem:$0x7FF] =	sst s3;
	s11 =	smul.u32 $0x14000, s0  }
0x9: {  	s4 =	sadd.s32 $0xCC00, s5;
	_ =	strace $0x8000004D;
	s6 =	ssub.s32 $0x2, s6  }
0xa: {  	s31 =	sshrl.u32 s6, $0x1;
	s8 =	sadd.s32 s9, s8;
	s29 =	sadd.s32 s11, s10  }
0xb: {  	s6 =	ssub.s32 s6, s31;
	s10 =	simm.s32 $0x50;
	s11 =	simm.s32 $0x100  }
0xc: {  	s8 =	sshrl.u32 s8, $0x3;
	s9 =	sshrl.u32 s29, $0x3;
	s6 =	smax.u32 s6, $0x1  }
0xd: {  	s30 =	sadd.s32 s8, s5;
	s9 =	sadd.s32 s9, s5;
	s5 =	smul.u32 $0x280, s0  }
0xe: {  	v0 =	vimm.f32 $0.0e+00;
	v1 =	vlaneseq.u32;
	s7 =	sadd.s32 s8, s7;
	s8 =	sadd.s32 $0x2E00, s30;
	s9 =	sadd.s32 $0xACC00, s9  }
.LBB2_1:
0xf: {  	s18 =	simm.s32 $0x70;
	s19 =	simm.s32 $0x3C0  }
.LBB2_2:
0x10: {  	p0 =	sne.s32 s19, $0x9FC0;
	[tilespmem:s18+$0x2980] =	vst v0  }
0x11: {  	[tilespmem:s18+$0x2910] =	vst v0  }
0x12: {  	[tilespmem:s18+$0x2920] =	vst v0  }
.Ltmp0:
0x13: {  	[tilespmem:s18+$0x2930] =	vst v0;
	(pc) =	sbr.rel @p0 .LBB2_2-.Ltmp0, $4  }
0x14: {  	[tilespmem:s18+$0x2940] =	vst v0  }
0x15: {  	[tilespmem:s18+$0x2950] =	vst v0  }
0x16: {  	[tilespmem:s18+$0x2960] =	vst v0  }
0x17: {  	[tilespmem:s18+$0x2970] =	vst v0;
	s18 =	sshra.s32 s19, $0x2;
	s19 =	sadd.s32 $0x200, s19  }
0x18: {  	[tilespmem:s18+$0x2980] =	vst v0  }
0x19: {  	[tilespmem:s18+$0x2910] =	vst v0  }
0x1a: {  	[tilespmem:s18+$0x2920] =	vst v0  }
0x1b: {  	[tilespmem:s18+$0x2930] =	vst v0  }
0x1c: {  	[tilespmem:s18+$0x2940] =	vst v0  }
0x1d: {  	[tilespmem:s18+$0x2950] =	vst v0  }
0x1e: {  	[tilespmem:s18+$0x2960] =	vst v0;
	s19 =	sadd.s32 $0x0, s5  }
0x1f: {  	[tilespmem:s18+$0x2970] =	vst v0;
	v2 =	vor.u32 s19, v1;
	s30 =	sadd.s32 $0x40, s19  }
0x20: {  	s20 =	sadd.s32 $0x30, s19;
	[tilespmem:$0x100] =	vst v2;
	v2 =	vor.u32 s30, v1  }
0x21: {  	s31 =	sadd.s32 $0x20, s19;
	v3 =	vor.u32 s20, v1;
	[tilespmem:$0x140] =	vst v2  }
0x22: {  	s18 =	simm.s32 $0x50;
	s19 =	sadd.s32 $0x10, s19;
	v2 =	vor.u32 s31, v1;
	[tilespmem:$0x130] =	vst v3  }
.LBB2_4:
0x23: {  	p0 =	sne.s32 s18, $0x230;
	v3 =	vor.u32 s19, v1;
	[tilespmem:$0x120] =	vst v2  }
0x24: {  	[tilespmem:$0x110] =	vst v3;
	[spmem:s2] =	stream.indirect.scatter [tilespmem:s12], [sflag:$0x2], $0x80, s11, s10, $0xb8  }
0x25: {  	_ =	swait.ge [sflag:s13], $0x2800  }
.Ltmp1:
0x26: {  	s19 =	sadd.s32 s18, s5;
	[sflag:s13] =	ssyncset.done $0x0;
	(pc) =	sbr.rel @p0 .LBB2_4-.Ltmp1, $4  }
0x27: {  	v2 =	vor.u32 s19, v1;
	s20 =	sadd.s32 $0x40, s19;
	[sflag:s13] =	ssyncadd.s32 $0xFFFFD800  }
0x28: {  	s21 =	sadd.s32 $0x30, s19;
	[tilespmem:$0x100] =	vst v2;
	v2 =	vor.u32 s20, v1  }
0x29: {  	v3 =	vor.u32 s21, v1;
	s20 =	sadd.s32 $0x20, s19;
	[tilespmem:$0x140] =	vst v2  }
0x2a: {  	s18 =	sadd.s32 $0x50, s18;
	s19 =	sadd.s32 $0x10, s19;
	v2 =	vor.u32 s20, v1;
	[tilespmem:$0x130] =	vst v3  }
0x2b: {  	v3 =	vor.u32 s19, v1;
	[tilespmem:$0x120] =	vst v2  }
0x2c: {  	[tilespmem:$0x110] =	vst v3  }
0x2d: {  	[spmem:s2] =	stream.indirect.scatter [tilespmem:s12], [sflag:$0x2], $0x80, s11, s10, $0xb8;
	[tilespmem:$0x19180] =	vst v63  }
0x2e: {  	_ =	swait.ge [sflag:s13], $0x2800  }
0x2f: {  	[sflag:s13] =	ssyncset.done $0x0  }
0x30: {  	[sflag:s13] =	ssyncadd.s32 $0xFFFFD800  }
0x31: {  	s18 =	sadd.s32 $0x0, s8;
	[bflag:$0x0] =	sbarrier.arrive $0xFFFF  }
0x32: {  	[tilespmem:s3], [sflag:$0x2] =	stream.linear.gather [hbm4b:s18+s3], $0x50, $0x38;
	[tilespmem:$0x19180] =	vst v63  }
0x33: {  	_ =	swait.ge [sflag:s13], $0x50  }
0x34: {  	[sflag:s13] =	ssyncset.done $0x0  }
0x35: {  	s31 =	sadd.s32 $0x0, s7;
	[sflag:s13] =	ssyncadd.s32 $0xFFFFFFB0  }
0x36: {  	[tilespmem:s14], [sflag:$0x2] =	stream.linear.gather [hbm4b:s31+s3], $0x50, $0x38;
	[tilespmem:$0x19180] =	vst v63  }
0x37: {  	_ =	swait.ge [sflag:s13], $0x50  }
0x38: {  	[sflag:s13] =	ssyncset.done $0x0  }
0x39: {  	[sflag:s13] =	ssyncadd.s32 $0xFFFFFFB0  }
0x3a: {  	[tilespmem:s15], [sflag:$0x1] =	stream.indirect.gather [hbm4b:s4+s10], $0x80, s3, s10, $0xb8;
	[tilespmem:$0x19180] =	vst v63  }
0x3b: {  	_ =	swait.ge [sflag:s16], $0x2800  }
0x3c: {  	[sflag:s16] =	ssyncset.done $0x0  }
0x3d: {  	[sflag:s16] =	ssyncadd.s32 $0xFFFFD800  }
0x3e: {  	[spmem:s2] =	stream.indirect.scatter.add.f32 [tilespmem:s15], [sflag:$0x2], $0x80, s14, s10, $0xb8;
	[tilespmem:$0x19180] =	vst v63  }
0x3f: {  	_ =	swait.ge [sflag:s13], $0x2800  }
0x40: {  	s19 =	simm.s32 $0x14;
	s18 =	simm.s32 $0xA;
	[sflag:s13] =	ssyncset.done $0x0  }
.LBB2_6:
0x41: {  	s20 =	sadd.s32 s18, s8  }
0x42: {  	[sflag:s13] =	ssyncadd.s32 $0xFFFFD800;
	s21 =	smov.u32 s19;
	s22 =	sadd.s32 $0xA, s19  }
0x43: {  	[tilespmem:s3], [sflag:$0x2] =	stream.linear.gather [hbm4b:s20+s3], $0x50, $0x38;
	[tilespmem:$0x19180] =	vst v63  }
0x44: {  	p0 =	sne.s32 s19, $0x4D8;
	_ =	swait.ge [sflag:s13], $0x50  }
0x45: {  	[sflag:s13] =	ssyncset.done $0x0  }
0x46: {  	s19 =	sadd.s32 s18, s7;
	s18 =	smov.u32 s21;
	[sflag:s13] =	ssyncadd.s32 $0xFFFFFFB0  }
0x47: {  	[tilespmem:s14], [sflag:$0x2] =	stream.linear.gather [hbm4b:s19+s3], $0x50, $0x38;
	[tilespmem:$0x19180] =	vst v63  }
0x48: {  	_ =	swait.ge [sflag:s13], $0x50  }
0x49: {  	[sflag:s13] =	ssyncset.done $0x0  }
0x4a: {  	[sflag:s13] =	ssyncadd.s32 $0xFFFFFFB0  }
0x4b: {  	[tilespmem:s15], [sflag:$0x1] =	stream.indirect.gather [hbm4b:s4+s10], $0x80, s3, s10, $0xb8;
	[tilespmem:$0x19180] =	vst v63  }
0x4c: {  	_ =	swait.ge [sflag:s16], $0x2800  }
.Ltmp2:
0x4d: {  	[sflag:s16] =	ssyncset.done $0x0;
	(pc) =	sbr.rel @p0 .LBB2_6-.Ltmp2, $4  }
0x4e: {  	[sflag:s16] =	ssyncadd.s32 $0xFFFFD800  }
0x4f: {  	[spmem:s2] =	stream.indirect.scatter.add.f32 [tilespmem:s15], [sflag:$0x2], $0x80, s14, s10, $0xb8;
	[tilespmem:$0x19180] =	vst v63  }
0x50: {  	_ =	swait.ge [sflag:s13], $0x2800  }
0x51: {  	s19 =	smov.u32 s22;
	[sflag:s13] =	ssyncset.done $0x0  }
0x52: {  	s19 =	sadd.s32 s18, s8;
	[sflag:s13] =	ssyncadd.s32 $0xFFFFD800  }
0x53: {  	[tilespmem:s3], [sflag:$0x2] =	stream.linear.gather [hbm4b:s19+s3], $0x50, $0x38;
	[tilespmem:$0x19180] =	vst v63  }
0x54: {  	_ =	swait.ge [sflag:s13], $0x50  }
0x55: {  	[sflag:s13] =	ssyncset.done $0x0  }
0x56: {  	s28 =	sadd.s32 s18, s7;
	[sflag:s13] =	ssyncadd.s32 $0xFFFFFFB0  }
0x57: {  	[tilespmem:s14], [sflag:$0x2] =	stream.linear.gather [hbm4b:s28+s3], $0x50, $0x38;
	[tilespmem:$0x19180] =	vst v63  }
0x58: {  	_ =	swait.ge [sflag:s13], $0x50  }
0x59: {  	[sflag:s13] =	ssyncset.done $0x0  }
0x5a: {  	[sflag:s13] =	ssyncadd.s32 $0xFFFFFFB0  }
0x5b: {  	[tilespmem:s15], [sflag:$0x1] =	stream.indirect.gather [hbm4b:s4+s10], $0x80, s3, s10, $0xb8;
	[tilespmem:$0x19180] =	vst v63  }
0x5c: {  	_ =	swait.ge [sflag:s16], $0x2800  }
0x5d: {  	[sflag:s16] =	ssyncset.done $0x0  }
0x5e: {  	[sflag:s16] =	ssyncadd.s32 $0xFFFFD800  }
0x5f: {  	[spmem:s2] =	stream.indirect.scatter.add.f32 [tilespmem:s15], [sflag:$0x2], $0x80, s14, s10, $0xb8;
	[tilespmem:$0x19180] =	vst v63  }
0x60: {  	_ =	swait.ge [sflag:s13], $0x2800  }
0x61: {  	[sflag:s13] =	ssyncset.done $0x0  }
0x62: {  	s29 =	sadd.s32 $0x0, s5;
	[sflag:s13] =	ssyncadd.s32 $0xFFFFD800  }
0x63: {  	v2 =	vor.u32 s29, v1;
	s20 =	sadd.s32 $0x40, s29;
	[bflag:$0x0] =	sbarrier.arrive $0xFFFF  }
0x64: {  	s30 =	sadd.s32 $0x10, s29;
	v3 =	vor.u32 s20, v1;
	[tilespmem:$0x100] =	vst v2  }
0x65: {  	s31 =	sadd.s32 $0x30, s29;
	v2 =	vor.u32 s30, v1;
	[tilespmem:$0x140] =	vst v3  }
0x66: {  	s18 =	sadd.s32 $0x20, s29;
	[tilespmem:$0x110] =	vst v2;
	v2 =	vor.u32 s31, v1  }
0x67: {  	[tilespmem:$0x130] =	vst v2;
	v2 =	vor.u32 s18, v1  }
0x68: {  	[tilespmem:$0x120] =	vst v2  }
0x69: {  	[tilespmem:s15], [sflag:$0x2] =	stream.indirect.gather [spmem:s2], $0x80, s11, s10, $0xb8;
	[tilespmem:$0x19180] =	vst v63  }
0x6a: {  	_ =	swait.ge [sflag:s13], $0x2800  }
0x6b: {  	s19 =	sadd.s32 $0x500, s9;
	[sflag:s13] =	ssyncset.done $0x0  }
0x6c: {  	s20 =	smov.u32 s9;
	s18 =	simm.s32 $0x50;
	[sflag:s13] =	ssyncadd.s32 $0xFFFFD800  }
.LBB2_8:
0x6d: {  	[hbm4b:s20+s3] =	stream.linear.scatter [tilespmem:s15], [sflag:$0x2], $0x2800, $0x38;
	[tilespmem:$0x19180] =	vst v63  }
0x6e: {  	s21 =	smov.u32 s18;
	s20 =	smov.u32 s19  }
0x6f: {  	p0 =	sne.s32 s18, $0x230;
	s18 =	sadd.s32 $0x50, s18;
	_ =	swait.ge [sflag:s13], $0x2800  }
0x70: {  	s21 =	sadd.s32 s21, s5;
	[sflag:s13] =	ssyncset.done $0x0  }
0x71: {  	v2 =	vor.u32 s21, v1;
	s22 =	sadd.s32 $0x10, s21;
	s23 =	sadd.s32 $0x20, s21;
	[sflag:s13] =	ssyncadd.s32 $0xFFFFD800  }
0x72: {  	v3 =	vor.u32 s23, v1;
	[tilespmem:$0x100] =	vst v2;
	v2 =	vor.u32 s22, v1;
	s22 =	sadd.s32 $0x30, s21;
	s21 =	sadd.s32 $0x40, s21  }
0x73: {  	[tilespmem:$0x110] =	vst v2;
	v2 =	vor.u32 s22, v1;
	v4 =	vor.u32 s21, v1  }
0x74: {  	[tilespmem:$0x130] =	vst v2  }
0x75: {  	[tilespmem:$0x140] =	vst v4  }
.Ltmp3:
0x76: {  	[tilespmem:$0x120] =	vst v3;
	(pc) =	sbr.rel @p0 .LBB2_8-.Ltmp3, $4  }
0x77: {  	[tilespmem:s15], [sflag:$0x2] =	stream.indirect.gather [spmem:s2], $0x80, s11, s10, $0xb8;
	[tilespmem:$0x19180] =	vst v63  }
0x78: {  	_ =	swait.ge [sflag:s13], $0x2800  }
0x79: {  	[sflag:s13] =	ssyncset.done $0x0  }
0x7a: {  	s19 =	sadd.s32 $0x500, s19;
	[sflag:s13] =	ssyncadd.s32 $0xFFFFD800  }
0x7b: {  	s17 =	sadd.s32 $0x1, s17  }
0x7c: {  	p0 =	sne.s32 s17, s6  }
.Ltmp4:
0x7d: {  	_ = 	snop;
	(pc) =	sbr.rel @p0 .LBB2_1-.Ltmp4, $4  }
0x7e: {  	[hbm4b:s20+s3] =	stream.linear.scatter [tilespmem:s15], [sflag:$0x2], $0x2800, $0x38;
	[tilespmem:$0x19180] =	vst v63  }
0x7f: {  	_ =	swait.ge [sflag:s13], $0x2800  }
0x80: {  	[sflag:s13] =	ssyncset.done $0x0  }
0x81: {  	[sflag:s13] =	ssyncadd.s32 $0xFFFFD800  }
0x82: {  	_ =	sfence.sel $0x180000  }
0x83: {  	[bflag:$0x0] =	sbarrier.arrive $0xFFFF  }
0x84: {  	p0 =	sne.s32 s0, $0x0;
	_ =	strace $0x9000004D  }
0x85: {  	s0 =	sadd.s32 @!p0 $0x100000, s1;
	[bflag:$0x2] =	sbarrier.arrive $0xFFFF  }
0x86: {  	[sflag:s0] =	ssyncadd.tile.s32 @!p0 $0x1;
	_ =	shalt  }
.Lfunc_end2:
_tile_overlayer_lowered:
.L_overlay_start_2:
0x87: {  	(tag) =	ssettag $0x2  }
0x88: {  	s0 =	rddreg [dreg:$0x0];
	s2 =	stileid.u32  }
0x89: {  	s1 =	rddreg [dreg:$0x1];
	p0 =	sne.s32 s2, $0x0  }
0x8a: {  	s3 =	rddreg [dreg:$0x2];
	[bflag:$0x3] =	sbarrier.arrive $0xFFFF;
	s2 =	simm.s32 @!p0 $0x1C02  }
0x8b: {  	[timem:s3], [sflag:s2] =	dma.local @!p0 [hbm:s0], s1  }
0x8c: {  	s0 =	simm.s32 @!p0 $0x2  }
0x8d: {  	_ =	swait.ge @!p0 [sflag:s0], s1  }
0x8e: {  	s1 =	ssub.s32 @!p0 $0x0, s1;
	[sflag:s0] =	ssyncset.done @!p0 $0x0  }
0x8f: {  	[sflag:s0] =	ssyncadd.s32 @!p0 s1  }
0x90: {  	[bflag:$0x3] =	sbarrier.arrive $0xFFFF  }
0x91: {  	_ =	shalt  }

// kernel: kernel.8.cloned.1.call-start
scs
__scs_entry_jumppad:
0x0: {  	(pc) =	sbr.rel $0x88, $3  }
0x1: {  	(tag) =	ssettag $0x0;
	lr =	simm.s32 $0x1  }
0x2: {  	[smem:$0x3F9B] =	sst lr;
	_ =	strace $0xD0000000  }
0x3: {  	_ = 	snop  }
0x4: {  	_ = 	snop  }
0x5: {  	_ = 	snop  }
0x6: {  	_ = 	snop  }
0x7: {  	_ = 	snop  }
__scs_overlays_trampoline_lowered:
0x8: {  	[smem:$0x3FAA] =	sst s0  }
0x9: {  	[smem:$0x3FAB] =	sst s1  }
0xa: {  	[smem:$0x3FAC] =	sst s2  }
0xb: {  	[smem:$0x3FAD] =	sst s3  }
0xc: {  	[smem:$0x3FAE] =	sst s4  }
0xd: {  	[smem:$0x3FAF] =	sst s5  }
0xe: {  	[smem:$0x3FB0] =	sst s6  }
0xf: {  	[smem:$0x3FB1] =	sst s7  }
0x10: {  	[smem:$0x3FB2] =	sst s8  }
0x11: {  	[smem:$0x3FB3] =	sst s9;
	s0 =	simm.s32 @!p0 $0x0  }
0x12: {  	s1 =	sld [smem:$0x3F99];
	s0 =	simm.s32 @p0 $0x1  }
0x13: {  	[smem:$0x3FB4] =	sst s0;
	s0 =	simm.s32 @!p1 $0x0  }
0x14: {  	s2 =	sld [smem:$0x3F98];
	s0 =	simm.s32 @p1 $0x1  }
0x15: {  	[smem:$0x3FB5] =	sst s0;
	s0 =	simm.s32 @!p2 $0x0  }
0x16: {  	s3 =	sld [smem:$0x3FDB];
	s0 =	simm.s32 @p2 $0x1  }
0x17: {  	s4 =	simm.s32 $0x1BF5;
	[smem:$0x3FB7] =	sst s0  }
0x18: {  	s0 =	sld [smem:$0x3F9A];
	_ =	swait.ge [sflag:s4], $0x0  }
0x19: {  	s7 =	sld [smem:$0x3F9B]  }
0x1a: {  	s8 =	sadd.s32 $0xFFFFE003, lr  }
0x1b: {  	s9 =	sadd.s32 $0xFFFFFEF7, lr;
	s5 =	simm.s32 $0xFFFFFFFF;
	p2 =	slt.u32 s8, $0xFFFFF086  }
0x1c: {  	p1 =	slt.u32 s9, $0xF7A;
	s5 =	simm.s32 @!p2 $0x0  }
0x1d: {  	s5 =	simm.s32 @p1 $0x1;
	p0 =	seq.s32 s7, s2  }
0x1e: {  	s7 =	smul.u32 @!p0 $0xF7A, s2;
	p2 =	seq.s32 @!p0 s5, $0x0  }
0x1f: {  	s9 =	smul.u32 $0xF7A, s1;
	s8 =	simm.s32 @!p0 $0x1BF5;
	p2 =	por !p2, p0  }
0x20: {  	[sflag:s8] =	ssyncset.s32 @!p0 $0xFFFFF086;
	s6 =	sadd.s32 @!p0 s3, s7;
	s7 =	simm.s32 @!p0 $0x108  }
0x21: {  	s3 =	sadd.s32 s3, s9;
	s6 =	sadd.s32 @!p0 $0x88, s6;
	s7 =	simm.s32 @p2 $0x1082  }
0x22: {  	[simem:s7], [sflag:s8] =	dma.local @!p0 [hbm:s6], $0xF7A  }
0x23: {  	s9 =	sor.u32 $0xD0000000, s2;
	s6 =	simm.s32 $0x108;
	_ =	swait.ge @!p0 [sflag:s8], $0x0  }
0x24: {  	s3 =	sadd.s32 $0x88, s3;
	s6 =	simm.s32 @!p1 $0x1082;
	[sflag:s4] =	ssyncset.s32 $0xFFFFF086  }
0x25: {  	[simem:s6], [sflag:s4] =	dma.local [hbm:s3], $0xF7A  }
0x26: {  	[smem:$0x3F9B] =	sst s1;
	(tag) =	ssettag s2;
	_ =	strace s9  }
0x27: {  	s1 =	sld [smem:$0x3FAB]  }
0x28: {  	s2 =	sld [smem:$0x3FAC]  }
0x29: {  	s4 =	sld [smem:$0x3FAE]  }
0x2a: {  	p0 =	seq.s32 s5, $0x0;
	s5 =	sld [smem:$0x3FAF]  }
0x2b: {  	s6 =	sld [smem:$0x3FB0]  }
0x2c: {  	s7 =	sld [smem:$0x3FB1]  }
0x2d: {  	s3 =	simm.s32 $0x108;
	s8 =	sld [smem:$0x3FB2]  }
0x2e: {  	s3 =	simm.s32 @!p0 $0x1082;
	s9 =	sld [smem:$0x3FB3]  }
0x2f: {  	lr =	sadd.s32 s0, s3;
	s0 =	sld [smem:$0x3FAA]  }
0x30: {  	s3 =	sld [smem:$0x3FAD]  }
0x31: {  	[smem:$0x3FB6] =	sst s10  }
0x32: {  	s10 =	sld [smem:$0x3FB4];
	_ =	sdelay $0x3  }
0x33: {  	p0 =	seq.s32 s10, $0x1;
	s10 =	sld [smem:$0x3FB6];
	_ =	sdelay $0x3  }
0x34: {  	[smem:$0x3FB6] =	sst s10  }
0x35: {  	s10 =	sld [smem:$0x3FB5];
	_ =	sdelay $0x3  }
0x36: {  	p1 =	seq.s32 s10, $0x1;
	s10 =	sld [smem:$0x3FB6];
	_ =	sdelay $0x3  }
0x37: {  	[smem:$0x3FB6] =	sst s10  }
0x38: {  	s10 =	sld [smem:$0x3FB7]  }
0x39: {  	_ = 	snop;
	(pc) =	sbr.ind lr, $3  }
0x3a: {  	_ = 	snop  }
0x3b: {  	_ = 	snop  }
0x3c: {  	p2 =	seq.s32 s10, $0x1;
	s10 =	sld [smem:$0x3FB6]  }
0x3d: {  	_ =	shalt  }
0x3e: {  	_ =	shalt  }
0x3f: {  	_ =	shalt  }
0x40: {  	_ =	shalt  }
0x41: {  	_ =	shalt  }
0x42: {  	_ =	shalt  }
0x43: {  	_ =	shalt  }
0x44: {  	_ =	shalt  }
0x45: {  	_ =	shalt  }
0x46: {  	_ =	shalt  }
0x47: {  	_ =	shalt  }
0x48: {  	_ =	shalt  }
0x49: {  	_ =	shalt  }
0x4a: {  	_ =	shalt  }
0x4b: {  	_ =	shalt  }
0x4c: {  	_ =	shalt  }
0x4d: {  	_ =	shalt  }
0x4e: {  	_ =	shalt  }
0x4f: {  	_ =	shalt  }
0x50: {  	_ =	shalt  }
0x51: {  	_ =	shalt  }
0x52: {  	_ =	shalt  }
0x53: {  	_ =	shalt  }
0x54: {  	_ =	shalt  }
0x55: {  	_ =	shalt  }
0x56: {  	_ =	shalt  }
0x57: {  	_ =	shalt  }
0x58: {  	_ =	shalt  }
0x59: {  	_ =	shalt  }
0x5a: {  	_ =	shalt  }
0x5b: {  	_ =	shalt  }
0x5c: {  	_ =	shalt  }
0x5d: {  	_ =	shalt  }
0x5e: {  	_ =	shalt  }
0x5f: {  	_ =	shalt  }
0x60: {  	_ =	shalt  }
0x61: {  	_ =	shalt  }
0x62: {  	_ =	shalt  }
0x63: {  	_ =	shalt  }
0x64: {  	_ =	shalt  }
0x65: {  	_ =	shalt  }
0x66: {  	_ =	shalt  }
0x67: {  	_ =	shalt  }
0x68: {  	_ =	shalt  }
0x69: {  	_ =	shalt  }
0x6a: {  	_ =	shalt  }
0x6b: {  	_ =	shalt  }
0x6c: {  	_ =	shalt  }
0x6d: {  	_ =	shalt  }
0x6e: {  	_ =	shalt  }
0x6f: {  	_ =	shalt  }
0x70: {  	_ =	shalt  }
0x71: {  	_ =	shalt  }
0x72: {  	_ =	shalt  }
0x73: {  	_ =	shalt  }
0x74: {  	_ =	shalt  }
0x75: {  	_ =	shalt  }
0x76: {  	_ =	shalt  }
0x77: {  	_ =	shalt  }
0x78: {  	_ =	shalt  }
0x79: {  	_ =	shalt  }
0x7a: {  	_ =	shalt  }
0x7b: {  	_ =	shalt  }
0x7c: {  	_ =	shalt  }
0x7d: {  	_ =	shalt  }
0x7e: {  	_ =	shalt  }
0x7f: {  	_ =	shalt  }
0x80: {  	_ =	shalt  }
0x81: {  	_ =	shalt  }
0x82: {  	_ =	shalt  }
0x83: {  	_ =	shalt  }
0x84: {  	_ =	shalt  }
0x85: {  	_ =	shalt  }
0x86: {  	_ =	shalt  }
0x87: {  	_ =	shalt  }
.Lfunc_end0:
.L_simem_size_0:
called_computation_lowered:
.L_overlay_start_0:
0x88: {  	s2 =	sld [smem:$0x3FD9]  }
0x89: {  	s3 =	sld [smem:$0x3FFE];
	_ =	sdelay $0x1  }
0x8a: {  	s1 =	srdreg.scid  }
0x8b: {  	s0 =	sand.u32 $0x1, s1  }
0x8c: {  	s17 =	sshll.u32 s0, $0xA;
	s2 =	sadd.s32 s3, s2  }
0x8d: {  	s2 =	sadd.s32 s2, s17  }
0x8e: {  	[smem:$0x3FC2] =	sst s2  }
0x8f: {  	_ = 	snop  }
0x90: {  	s2 =	sld [smem:$0x3FD0];
	(tm) =	ssettm $0x1  }
0x91: {  	s18 =	sld [smem:$0x3FFB];
	_ =	sdelay $0x3  }
0x92: {  	_ =	strace s18  }
0x93: {  	s3 =	sld [smem:$0x3FFC];
	_ =	sdelay $0x3  }
0x94: {  	_ =	strace s3  }
0x95: {  	s3 =	sld [smem:$0x3FFD];
	_ =	sdelay $0x3  }
0x96: {  	_ =	strace s3  }
0x97: {  	_ =	strace $0x8FFFFFFF  }
0x98: {  	s19 =	sld [smem:$0x3FDB];
	_ =	sdelay $0x1  }
0x99: {  	s4 =	simm.s32 $_scs_section_size  }
0x9a: {  	s5 =	simm.s32 $_size__tile_overlayer_lowered;
	s6 =	simm.s32 $_tile_overlayer_lowered  }
0x9b: {  	s22 =	simm.s32 $0x1BFF;
	s21 =	sshll.u32 s6, $0x1;
	s3 =	sadd.s32 s4, s19  }
0x9c: {  	s7 =	simm.s32 $0x0;
	s20 =	sshll.u32 s5, $0x1;
	s5 =	sadd.s32 s21, s3  }
0x9d: {  	[timem:s7], [sflag:s22] =	dma.local [hbm:s5], s20  }
0x9e: {  	_ =	swait.ge [sflag:s22], s20  }
0x9f: {  	s4 =	ssub.s32 $0x0, s20;
	[sflag:s22] =	ssyncset.done $0x0  }
0xa0: {  	[sflag:s22] =	ssyncadd.s32 s4;
	_ =	sdelay $0x1  }
0xa1: {  	s23 =	simm.s32 $0x1B8B  }
0xa2: {  	_ =	swait.ge [sflag:s23], $0x1  }
0xa3: {  	[sflag:s23] =	ssyncset.done $0x0  }
0xa4: {  	s25 =	simm.s32 $0x1B8E;
	s24 =	sld [smem:$0x3FFE];
	[sflag:s23] =	ssyncadd.s32 $0xFFFFFFFF  }
0xa5: {  	s26 =	simm.s32 $execute0_lowered;
	[smem:$0x3FD2] =	sst s25  }
0xa6: {  	s5 =	sshll.u32 s26, $0x1;
	_ =	strace $0x80000046;
	[dreg:$0x1] =	wrdreg $0xFFFFFFFF  }
0xa7: {  	s28 =	simm.s32 $_size_execute0_lowered;
	s3 =	sadd.s32 s3, s5;
	[dreg:$0x0] =	wrdreg $0x0  }
0xa8: {  	s5 =	sshll.u32 s28, $0x1;
	[dreg:$0x2] =	wrdreg s3  }
0xa9: {  	[dreg:$0x3] =	wrdreg s5  }
0xaa: {  	[dreg:$0x4] =	wrdreg $0xC0  }
0xab: {  	_ =	task [dreg:s7], $0x5FFFF  }
0xac: {  	[dreg:$0x1] =	wrdreg $0xFFFFFFFF  }
0xad: {  	[dreg:$0x0] =	wrdreg $0x60  }
0xae: {  	[dreg:$0x2] =	wrdreg s24  }
0xaf: {  	[dreg:$0x3] =	wrdreg s2  }
0xb0: {  	[dreg:$0x4] =	wrdreg $0x79800  }
0xb1: {  	[dreg:$0x5] =	wrdreg $0xA1800  }
0xb2: {  	[dreg:$0x6] =	wrdreg $0x9  }
0xb3: {  	_ =	task.clear_ibuf [dreg:s7], $0x7FFFF;
	_ =	strace $0x90000046  }
0xb4: {  	s29 =	simm.s32 $0x9;
	_ =	strace $0x80000048  }
0xb5: {  	_ =	swait.ge [sflag:s29], $0x1  }
0xb6: {  	[sflag:s29] =	ssyncadd.s32 $0xFFFFFFFF  }
0xb7: {  	_ =	strace $0x90000048  }
0xb8: {  	_ =	sfence  }
0xb9: {  	s30 =	sld [smem:$0x0];
	_ =	sdelay $0x2  }
0xba: {  	s31 =	sshll.u32 s1, $0xD;
	s1 =	sshrl.u32 s1, $0x2  }
0xbb: {  	s3 =	sand.u32 $0x4000, s31;
	s1 =	sadd.s32 s1, s30  }
0xbc: {  	s0 =	sor.u32 s3, s0;
	s1 =	sshll.u32 s1, $0x11  }
0xbd: {  	s0 =	sor.u32 s1, s0  }
0xbe: {  	s0 =	sadd.s32 $0x8F2B, s0  }
0xbf: {  	[sflag:s0] =	ssyncadd.remote.s32 $0x1  }
0xc0: {  	_ =	sfence.sel $0xFFFF  }
0xc1: {  	[dreg:$0x0] =	wrdreg $0xFFFFFFFF;
	(pc) =	sbr.abs _section_cstart, $3  }
0xc2: {  	[dreg:$0x1] =	wrdreg $0xFFFFFFFF  }
0xc3: {  	_ =	task.clear_ibuf [dreg:s7], $0x2FFFF;
	_ =	strace $0x9FFFFFFF  }
0xc4: {  	(tm) =	ssettm $0x7FFFFFFF  }
0xc5: {  	_ =	shalt  }
tec
execute0_lowered:
.L_overlay_start_1:
0x0: {  	(tag) =	ssettag $0x1  }
0x1: {  	s5 =	rddreg [dreg:$0x0]  }
0x2: {  	s7 =	rddreg [dreg:$0x1]  }
0x3: {  	s2 =	rddreg [dreg:$0x2]  }
0x4: {  	s0 =	srdreg.scid;
	s3 =	rddreg [dreg:$0x3]  }
0x5: {  	s1 =	rddreg [dreg:$0x4];
	s4 =	simm.s32 $0x0;
	s6 =	sand.u32 $0x1, s0  }
0x6: {  	s12 =	simm.s32 $0x100;
	s0 =	stileid.u32;
	s8 =	smul.u32 $0x27100, s6  }
0x7: {  	s13 =	simm.s32 $0x2980;
	s14 =	simm.s32 $0x1;
	s9 =	smul.u32 $0x2710, s0  }
0x8: {  	s15 =	simm.s32 $0x80;
	s16 =	simm.s32 $0x180;
	s10 =	smul.u32 $0x140000, s6  }
0x9: {  	s17 =	simm.s32 $0x5180;
	[smem:$0x7FF] =	sst s4;
	s11 =	smul.u32 $0x14000, s0  }
0xa: {  	s18 =	simm.s32 $0x0;
	_ =	strace $0x80000047;
	s6 =	ssub.s32 $0x2, s6  }
0xb: {  	s29 =	sshrl.u32 s6, $0x1;
	s8 =	sadd.s32 s9, s8;
	s28 =	sadd.s32 s11, s10  }
0xc: {  	s6 =	ssub.s32 s6, s29;
	s11 =	simm.s32 $0x50;
	s8 =	sshrl.u32 s8, $0x3  }
0xd: {  	s9 =	sshrl.u32 s28, $0x3;
	s6 =	smax.u32 s6, $0x1;
	s30 =	sadd.s32 s8, s5  }
0xe: {  	s31 =	sadd.s32 s9, s5;
	s5 =	smul.u32 $0x280, s0;
	s7 =	sadd.s32 s8, s7  }
0xf: {  	v0 =	vimm.f32 $1.000000000e+00;
	v1 =	vimm.f32 $0.0e+00;
	v2 =	vlaneseq.u32;
	s8 =	sadd.s32 $0x2E00, s30;
	s9 =	sadd.s32 $0x5CC00, s31;
	s10 =	sadd.s32 $0xCC00, s31  }
.LBB2_1:
0x10: {  	s19 =	simm.s32 $0x0  }
.LBB2_2:
0x11: {  	p0 =	sne.s32 s19, $0x9E00  }
.Ltmp0:
0x12: {  	_ = 	snop;
	(pc) =	sbr.rel @p0 .LBB2_2-.Ltmp0, $4  }
0x13: {  	_ = 	snop  }
0x14: {  	s20 =	sshra.s32 s19, $0x2  }
0x15: {  	[tilespmem:s20+$0x180] =	vst v0  }
0x16: {  	s19 =	sadd.s32 $0x200, s19;
	[tilespmem:s20+$0x2980] =	vst v1  }
0x17: {  	s19 =	sadd.s32 $0x0, s5  }
0x18: {  	v3 =	vor.u32 s19, v2;
	s20 =	sadd.s32 $0x10, s19  }
0x19: {  	s21 =	sadd.s32 $0x40, s19;
	[tilespmem:$0x100] =	vst v3;
	v3 =	vor.u32 s20, v2  }
0x1a: {  	s31 =	sadd.s32 $0x30, s19;
	v4 =	vor.u32 s21, v2;
	[tilespmem:$0x110] =	vst v3  }
0x1b: {  	s19 =	sadd.s32 $0x20, s19;
	v3 =	vor.u32 s31, v2;
	[tilespmem:$0x140] =	vst v4  }
0x1c: {  	[tilespmem:$0x130] =	vst v3;
	v3 =	vor.u32 s19, v2  }
0x1d: {  	[tilespmem:$0x120] =	vst v3  }
0x1e: {  	[spmem:s2] =	stream.indirect.scatter [tilespmem:s13], [sflag:$0x1], $0x10, s12, s11, $0xb8;
	[tilespmem:$0xC980] =	vst v63  }
0x1f: {  	_ =	swait.ge [sflag:s14], $0x500  }
0x20: {  	[sflag:s14] =	ssyncset.done $0x0  }
0x21: {  	s19 =	simm.s32 $0x50;
	[sflag:s14] =	ssyncadd.s32 $0xFFFFFB00  }
.LBB2_4:
0x22: {  	[spmem:s3] =	stream.indirect.scatter [tilespmem:s13], [sflag:$0x1], $0x10, s12, s11, $0xb8;
	[tilespmem:$0xC980] =	vst v63  }
0x23: {  	s20 =	smov.u32 s19  }
0x24: {  	p0 =	sne.s32 s19, $0x230;
	s19 =	sadd.s32 $0x50, s19;
	_ =	swait.ge [sflag:s14], $0x500  }
0x25: {  	s20 =	sadd.s32 s20, s5;
	[sflag:s14] =	ssyncset.done $0x0  }
0x26: {  	v3 =	vor.u32 s20, v2;
	s21 =	sadd.s32 $0x10, s20;
	s22 =	sadd.s32 $0x20, s20;
	[sflag:s14] =	ssyncadd.s32 $0xFFFFFB00  }
0x27: {  	v4 =	vor.u32 s22, v2;
	[tilespmem:$0x100] =	vst v3;
	v3 =	vor.u32 s21, v2;
	s21 =	sadd.s32 $0x30, s20;
	s20 =	sadd.s32 $0x40, s20  }
0x28: {  	[tilespmem:$0x110] =	vst v3;
	v3 =	vor.u32 s21, v2;
	v5 =	vor.u32 s20, v2  }
0x29: {  	[tilespmem:$0x130] =	vst v3  }
0x2a: {  	[tilespmem:$0x140] =	vst v5  }
.Ltmp1:
0x2b: {  	[tilespmem:$0x120] =	vst v4;
	(pc) =	sbr.rel @p0 .LBB2_4-.Ltmp1, $4  }
0x2c: {  	[spmem:s2] =	stream.indirect.scatter [tilespmem:s13], [sflag:$0x1], $0x10, s12, s11, $0xb8;
	[tilespmem:$0xC980] =	vst v63  }
0x2d: {  	_ =	swait.ge [sflag:s14], $0x500  }
0x2e: {  	[sflag:s14] =	ssyncset.done $0x0  }
0x2f: {  	[sflag:s14] =	ssyncadd.s32 $0xFFFFFB00  }
0x30: {  	[spmem:s3] =	stream.indirect.scatter [tilespmem:s13], [sflag:$0x1], $0x10, s12, s11, $0xb8;
	[tilespmem:$0xC980] =	vst v63  }
0x31: {  	_ =	swait.ge [sflag:s14], $0x500  }
0x32: {  	[sflag:s14] =	ssyncset.done $0x0  }
0x33: {  	[sflag:s14] =	ssyncadd.s32 $0xFFFFFB00  }
0x34: {  	s19 =	sadd.s32 $0x0, s8;
	[bflag:$0x0] =	sbarrier.arrive $0xFFFF  }
0x35: {  	[tilespmem:s4], [sflag:$0x1] =	stream.linear.gather [hbm4b:s19+s4], $0x50, $0x38;
	[tilespmem:$0xC980] =	vst v63  }
0x36: {  	_ =	swait.ge [sflag:s14], $0x50  }
0x37: {  	[sflag:s14] =	ssyncset.done $0x0  }
0x38: {  	s31 =	sadd.s32 $0x0, s7;
	[sflag:s14] =	ssyncadd.s32 $0xFFFFFFB0  }
0x39: {  	[tilespmem:s15], [sflag:$0x1] =	stream.linear.gather [hbm4b:s31+s4], $0x50, $0x38;
	[tilespmem:$0xC980] =	vst v63  }
0x3a: {  	_ =	swait.ge [sflag:s14], $0x50  }
0x3b: {  	[sflag:s14] =	ssyncset.done $0x0  }
0x3c: {  	[sflag:s14] =	ssyncadd.s32 $0xFFFFFFB0  }
0x3d: {  	[spmem:s2] =	stream.indirect.scatter.add.f32 [tilespmem:s16], [sflag:$0x1], $0x10, s4, s11, $0xb8;
	[tilespmem:$0xC980] =	vst v63  }
0x3e: {  	_ =	swait.ge [sflag:s14], $0x500  }
0x3f: {  	[sflag:s14] =	ssyncset.done $0x0  }
0x40: {  	[sflag:s14] =	ssyncadd.s32 $0xFFFFFB00  }
0x41: {  	[spmem:s3] =	stream.indirect.scatter.add.f32 [tilespmem:s16], [sflag:$0x1], $0x10, s15, s11, $0xb8;
	[tilespmem:$0xC980] =	vst v63  }
0x42: {  	_ =	swait.ge [sflag:s14], $0x500  }
0x43: {  	s20 =	simm.s32 $0x14;
	s19 =	simm.s32 $0xA;
	[sflag:s14] =	ssyncset.done $0x0  }
.LBB2_6:
0x44: {  	s21 =	sadd.s32 s19, s8  }
0x45: {  	[sflag:s14] =	ssyncadd.s32 $0xFFFFFB00;
	s22 =	smov.u32 s20;
	s23 =	sadd.s32 $0xA, s20  }
0x46: {  	[tilespmem:s4], [sflag:$0x1] =	stream.linear.gather [hbm4b:s21+s4], $0x50, $0x38;
	[tilespmem:$0xC980] =	vst v63  }
0x47: {  	p0 =	sne.s32 s20, $0x4D8;
	_ =	swait.ge [sflag:s14], $0x50  }
0x48: {  	[sflag:s14] =	ssyncset.done $0x0  }
0x49: {  	s20 =	sadd.s32 s19, s7;
	s19 =	smov.u32 s22;
	[sflag:s14] =	ssyncadd.s32 $0xFFFFFFB0  }
0x4a: {  	[tilespmem:s15], [sflag:$0x1] =	stream.linear.gather [hbm4b:s20+s4], $0x50, $0x38;
	[tilespmem:$0xC980] =	vst v63  }
0x4b: {  	_ =	swait.ge [sflag:s14], $0x50  }
0x4c: {  	[sflag:s14] =	ssyncset.done $0x0  }
0x4d: {  	[sflag:s14] =	ssyncadd.s32 $0xFFFFFFB0  }
0x4e: {  	[spmem:s2] =	stream.indirect.scatter.add.f32 [tilespmem:s16], [sflag:$0x1], $0x10, s4, s11, $0xb8;
	[tilespmem:$0xC980] =	vst v63  }
0x4f: {  	_ =	swait.ge [sflag:s14], $0x500  }
.Ltmp2:
0x50: {  	[sflag:s14] =	ssyncset.done $0x0;
	(pc) =	sbr.rel @p0 .LBB2_6-.Ltmp2, $4  }
0x51: {  	[sflag:s14] =	ssyncadd.s32 $0xFFFFFB00  }
0x52: {  	[spmem:s3] =	stream.indirect.scatter.add.f32 [tilespmem:s16], [sflag:$0x1], $0x10, s15, s11, $0xb8;
	[tilespmem:$0xC980] =	vst v63  }
0x53: {  	_ =	swait.ge [sflag:s14], $0x500  }
0x54: {  	s20 =	smov.u32 s23;
	[sflag:s14] =	ssyncset.done $0x0  }
0x55: {  	s20 =	sadd.s32 s19, s8;
	[sflag:s14] =	ssyncadd.s32 $0xFFFFFB00  }
0x56: {  	[tilespmem:s4], [sflag:$0x1] =	stream.linear.gather [hbm4b:s20+s4], $0x50, $0x38;
	[tilespmem:$0xC980] =	vst v63  }
0x57: {  	_ =	swait.ge [sflag:s14], $0x50  }
0x58: {  	[sflag:s14] =	ssyncset.done $0x0  }
0x59: {  	s28 =	sadd.s32 s19, s7;
	[sflag:s14] =	ssyncadd.s32 $0xFFFFFFB0  }
0x5a: {  	[tilespmem:s15], [sflag:$0x1] =	stream.linear.gather [hbm4b:s28+s4], $0x50, $0x38;
	[tilespmem:$0xC980] =	vst v63  }
0x5b: {  	_ =	swait.ge [sflag:s14], $0x50  }
0x5c: {  	[sflag:s14] =	ssyncset.done $0x0  }
0x5d: {  	[sflag:s14] =	ssyncadd.s32 $0xFFFFFFB0  }
0x5e: {  	[spmem:s2] =	stream.indirect.scatter.add.f32 [tilespmem:s16], [sflag:$0x1], $0x10, s4, s11, $0xb8;
	[tilespmem:$0xC980] =	vst v63  }
0x5f: {  	_ =	swait.ge [sflag:s14], $0x500  }
0x60: {  	[sflag:s14] =	ssyncset.done $0x0  }
0x61: {  	[sflag:s14] =	ssyncadd.s32 $0xFFFFFB00  }
0x62: {  	[spmem:s3] =	stream.indirect.scatter.add.f32 [tilespmem:s16], [sflag:$0x1], $0x10, s15, s11, $0xb8;
	[tilespmem:$0xC980] =	vst v63  }
0x63: {  	_ =	swait.ge [sflag:s14], $0x500  }
0x64: {  	[sflag:s14] =	ssyncset.done $0x0  }
0x65: {  	s29 =	sadd.s32 $0x0, s5;
	[sflag:s14] =	ssyncadd.s32 $0xFFFFFB00  }
0x66: {  	v3 =	vor.u32 s29, v2;
	s21 =	sadd.s32 $0x40, s29;
	[bflag:$0x0] =	sbarrier.arrive $0xFFFF  }
0x67: {  	s30 =	sadd.s32 $0x10, s29;
	v4 =	vor.u32 s21, v2;
	[tilespmem:$0x100] =	vst v3  }
0x68: {  	s31 =	sadd.s32 $0x30, s29;
	v3 =	vor.u32 s30, v2;
	[tilespmem:$0x140] =	vst v4  }
0x69: {  	s19 =	sadd.s32 $0x20, s29;
	[tilespmem:$0x110] =	vst v3;
	v3 =	vor.u32 s31, v2  }
0x6a: {  	[tilespmem:$0x130] =	vst v3;
	v3 =	vor.u32 s19, v2  }
0x6b: {  	[tilespmem:$0x120] =	vst v3  }
0x6c: {  	[tilespmem:s17], [sflag:$0x1] =	stream.indirect.gather [spmem:s2], $0x10, s12, s11, $0xb8;
	[tilespmem:$0xC980] =	vst v63  }
0x6d: {  	_ =	swait.ge [sflag:s14], $0x500  }
0x6e: {  	[sflag:s14] =	ssyncset.done $0x0  }
0x6f: {  	[sflag:s14] =	ssyncadd.s32 $0xFFFFFB00  }
0x70: {  	[hbm4b:s10+s4] =	stream.linear.scatter [tilespmem:s17], [sflag:$0x1], $0x2800, $0x38;
	[tilespmem:$0xC980] =	vst v63  }
0x71: {  	_ =	swait.ge [sflag:s14], $0x2800  }
0x72: {  	[sflag:s14] =	ssyncset.done $0x0  }
0x73: {  	[sflag:s14] =	ssyncadd.s32 $0xFFFFD800  }
0x74: {  	[tilespmem:s17], [sflag:$0x1] =	stream.indirect.gather [spmem:s3], $0x10, s12, s11, $0xb8;
	[tilespmem:$0xC980] =	vst v63  }
0x75: {  	_ =	swait.ge [sflag:s14], $0x500  }
0x76: {  	s22 =	smov.u32 s9;
	s20 =	sadd.s32 $0x500, s9;
	[sflag:s14] =	ssyncset.done $0x0  }
0x77: {  	s21 =	sadd.s32 $0x500, s10;
	s19 =	simm.s32 $0x50;
	[sflag:s14] =	ssyncadd.s32 $0xFFFFFB00  }
.LBB2_8:
0x78: {  	[hbm4b:s22+s4] =	stream.linear.scatter [tilespmem:s17], [sflag:$0x1], $0x2800, $0x38;
	[tilespmem:$0xC980] =	vst v63  }
0x79: {  	s23 =	smov.u32 s19;
	s22 =	smov.u32 s20  }
0x7a: {  	p0 =	sne.s32 s19, $0x230;
	s19 =	sadd.s32 $0x50, s19;
	_ =	swait.ge [sflag:s14], $0x2800  }
0x7b: {  	s23 =	sadd.s32 s23, s5;
	[sflag:s14] =	ssyncset.done $0x0  }
0x7c: {  	v3 =	vor.u32 s23, v2;
	s24 =	sadd.s32 $0x10, s23;
	s25 =	sadd.s32 $0x20, s23;
	[sflag:s14] =	ssyncadd.s32 $0xFFFFD800  }
0x7d: {  	v4 =	vor.u32 s25, v2;
	[tilespmem:$0x100] =	vst v3;
	v3 =	vor.u32 s24, v2;
	s24 =	sadd.s32 $0x30, s23;
	s23 =	sadd.s32 $0x40, s23  }
0x7e: {  	[tilespmem:$0x110] =	vst v3;
	v3 =	vor.u32 s24, v2;
	v5 =	vor.u32 s23, v2  }
0x7f: {  	[tilespmem:$0x130] =	vst v3  }
0x80: {  	[tilespmem:$0x140] =	vst v5  }
0x81: {  	[tilespmem:$0x120] =	vst v4  }
0x82: {  	[tilespmem:s17], [sflag:$0x1] =	stream.indirect.gather [spmem:s2], $0x10, s12, s11, $0xb8;
	[tilespmem:$0xC980] =	vst v63  }
0x83: {  	_ =	swait.ge [sflag:s14], $0x500  }
0x84: {  	[sflag:s14] =	ssyncset.done $0x0  }
0x85: {  	[sflag:s14] =	ssyncadd.s32 $0xFFFFFB00  }
0x86: {  	[hbm4b:s21+s4] =	stream.linear.scatter [tilespmem:s17], [sflag:$0x1], $0x2800, $0x38;
	[tilespmem:$0xC980] =	vst v63  }
0x87: {  	_ =	swait.ge [sflag:s14], $0x2800  }
0x88: {  	[sflag:s14] =	ssyncset.done $0x0  }
.Ltmp3:
0x89: {  	[sflag:s14] =	ssyncadd.s32 $0xFFFFD800;
	(pc) =	sbr.rel @p0 .LBB2_8-.Ltmp3, $4  }
0x8a: {  	[tilespmem:s17], [sflag:$0x1] =	stream.indirect.gather [spmem:s3], $0x10, s12, s11, $0xb8;
	[tilespmem:$0xC980] =	vst v63  }
0x8b: {  	_ =	swait.ge [sflag:s14], $0x500  }
0x8c: {  	[sflag:s14] =	ssyncset.done $0x0  }
0x8d: {  	s20 =	sadd.s32 $0x500, s20;
	s21 =	sadd.s32 $0x500, s21;
	[sflag:s14] =	ssyncadd.s32 $0xFFFFFB00  }
0x8e: {  	s18 =	sadd.s32 $0x1, s18  }
0x8f: {  	p0 =	sne.s32 s18, s6  }
.Ltmp4:
0x90: {  	_ = 	snop;
	(pc) =	sbr.rel @p0 .LBB2_1-.Ltmp4, $4  }
0x91: {  	[hbm4b:s22+s4] =	stream.linear.scatter [tilespmem:s17], [sflag:$0x1], $0x2800, $0x38;
	[tilespmem:$0xC980] =	vst v63  }
0x92: {  	_ =	swait.ge [sflag:s14], $0x2800  }
0x93: {  	[sflag:s14] =	ssyncset.done $0x0  }
0x94: {  	[sflag:s14] =	ssyncadd.s32 $0xFFFFD800  }
0x95: {  	_ =	sfence.sel $0x180000  }
0x96: {  	[bflag:$0x0] =	sbarrier.arrive $0xFFFF  }
0x97: {  	p0 =	sne.s32 s0, $0x0;
	_ =	strace $0x90000047  }
0x98: {  	s0 =	sadd.s32 @!p0 $0x100000, s1;
	[bflag:$0x2] =	sbarrier.arrive $0xFFFF  }
0x99: {  	[sflag:s0] =	ssyncadd.tile.s32 @!p0 $0x1;
	_ =	shalt  }
.Lfunc_end2:
_tile_overlayer_lowered:
.L_overlay_start_2:
0x9a: {  	(tag) =	ssettag $0x2  }
0x9b: {  	s0 =	rddreg [dreg:$0x0];
	s2 =	stileid.u32  }
0x9c: {  	s1 =	rddreg [dreg:$0x1];
	p0 =	sne.s32 s2, $0x0  }
0x9d: {  	s3 =	rddreg [dreg:$0x2];
	[bflag:$0x3] =	sbarrier.arrive $0xFFFF;
	s2 =	simm.s32 @!p0 $0x1C01  }
0x9e: {  	[timem:s3], [sflag:s2] =	dma.local @!p0 [hbm:s0], s1  }
0x9f: {  	s0 =	simm.s32 @!p0 $0x1  }
0xa0: {  	_ =	swait.ge @!p0 [sflag:s0], s1  }
0xa1: {  	s1 =	ssub.s32 @!p0 $0x0, s1;
	[sflag:s0] =	ssyncset.done @!p0 $0x0  }
0xa2: {  	[sflag:s0] =	ssyncadd.s32 @!p0 s1  }
0xa3: {  	[bflag:$0x3] =	sbarrier.arrive $0xFFFF  }
0xa4: {  	_ =	shalt  }

</sc_bundles>
